<compile_context>
chip_gen: v7x
topology: tpu7x:2x2x1
jax: 0.10.2.dev20260603
libtpu: 0.0.44.dev20260713+nightly
codegen_flags: <defaults>
</compile_context>

<pallas_src>
import functools

import jax
import jax.numpy as jnp
from jax import lax
from jax.experimental import pallas as pl
from jax.experimental.pallas import tpu as pltpu
from jax.experimental.pallas import tpu_sc as plsc

_VOCAB = 100000
_D = 1024
_B_TOT = 4 * 8192
_NC = 2
_NS = 16
_NW = _NC * _NS
_B_PER_W = _B_TOT // _NW
_CHUNK = 32
_N_CHUNKS = _B_PER_W // _CHUNK
_NBUF = 3
_AHEAD = 1

_mesh = plsc.VectorSubcoreMesh(
    core_axis_name="c", subcore_axis_name="s", num_cores=_NC, num_subcores=_NS
)


_BATCH = 4
_SEQ = 8192
_W_PER_BATCH = _SEQ // _B_PER_W


@functools.partial(
    pl.kernel,
    out_type=jax.ShapeDtypeStruct((_BATCH, _SEQ, _D), jnp.float32),
    mesh=_mesh,
    scratch_types=[
        pltpu.VMEM((_B_PER_W,), jnp.int32),
        pltpu.VMEM((_NBUF, _CHUNK, _D), jnp.float32),
        [pltpu.SemaphoreType.DMA] * _NBUF,
        [pltpu.SemaphoreType.DMA] * _NBUF,
    ],
)
def _gather_rows(idx_hbm, table_hbm, out_hbm, idx_v, rows_v, gsems, osems):
    wid = lax.axis_index("s") * _NC + lax.axis_index("c")
    b = wid // _W_PER_BATCH
    base = (wid % _W_PER_BATCH) * _B_PER_W
    pltpu.sync_copy(idx_hbm.at[b, pl.ds(base, _B_PER_W)], idx_v)

    def start_gather(g, slot):
        pltpu.async_copy(
            table_hbm.at[idx_v.at[pl.ds(g * _CHUNK, _CHUNK)]],
            rows_v.at[slot],
            gsems[slot],
        )

    def wait_gather(slot):
        pltpu.make_async_copy(
            table_hbm.at[idx_v.at[pl.ds(0, _CHUNK)]], rows_v.at[slot], gsems[slot]
        ).wait()

    def start_scatter(g, slot):
        pltpu.async_copy(
            rows_v.at[slot],
            out_hbm.at[b, pl.ds(base + g * _CHUNK, _CHUNK)],
            osems[slot],
        )

    def wait_scatter(slot):
        pltpu.make_async_copy(
            rows_v.at[slot], out_hbm.at[b, pl.ds(base, _CHUNK)], osems[slot]
        ).wait()

    for h in range(_AHEAD):
        start_gather(h, h)

    def step(g, s):
        wait_gather(s)
        start_scatter(g, s)
        s2 = (s + _AHEAD) % _NBUF

        def refill():
            @pl.when(g + _AHEAD >= _NBUF)
            def _():
                wait_scatter(s2)

            start_gather(g + _AHEAD, s2)

        if isinstance(g, int):
            if g + _AHEAD < _N_CHUNKS:
                if g + _AHEAD >= _NBUF:
                    wait_scatter(s2)
                start_gather(g + _AHEAD, s2)
        else:
            pl.when(g + _AHEAD < _N_CHUNKS)(refill)

    def body(o, _):
        for s in range(_NBUF):
            step(o * _NBUF + s, s)
        return 0

    lax.fori_loop(0, _N_CHUNKS // _NBUF, body, 0)
    for g in range(_N_CHUNKS - _N_CHUNKS % _NBUF, _N_CHUNKS):
        step(g, g % _NBUF)
    for s in range(min(_NBUF, _N_CHUNKS)):
        wait_scatter(s)


def kernel(x, table):
    if x.dtype != jnp.int32:
        x = x.astype(jnp.int32)
    return _gather_rows(x, table)

# --- scband reference (transcript-rebuilt; emitter-appended) ---
"""Pipeline reference for scband-input-layer-71116068487792 (READ-ONLY COPY).

The authoritative reference and input builder live on the scoring server;
editing this copy changes nothing except your own understanding.
"""

import jax, jax.numpy as jnp
import numpy as np

VOCAB = 100000
D_MODEL = 1024
BATCH = 4
SEQ = 8192

def setup_inputs(seed: int = 0) -> dict:
    key = jax.random.key(seed)
    k_idx, k_tab = jax.random.split(key)
    x = jax.random.randint(k_idx, (BATCH, SEQ), 0, VOCAB, dtype=jnp.int64 if jax.config.jax_enable_x64 else jnp.int32)
    table = jax.random.normal(k_tab, (VOCAB, D_MODEL), dtype=jnp.float32) * 0.02
    return {"x": x, "table": table}

def reference(x, table):
    # nn.Embedding forward: row gather from the embedding table
    return jnp.take(table, x, axis=0)

if __name__ == "__main__":
    import jax
    _d = setup_inputs()
    print(jax.jit(kernel)(*tuple(_d.values())))

</pallas_src>

<mosaic_0001>
#map = affine_map<(d0, d1) -> (0, 0)>
#map1 = affine_map<(d0, d1) -> (0, 0, 0)>
module attributes {stable_mosaic.version = 14 : i64} {
  func.func @_gather_rows(%arg0: i32, %arg1: i32, %arg2: memref<4x8192xi32, #tpu.memory_space<hbm>>, %arg3: memref<100000x1024xf32, #tpu.memory_space<hbm>>, %arg4: memref<4x8192x1024xf32, #tpu.memory_space<hbm>>, %arg5: memref<1024xi32, #tpu.memory_space<vmem>>, %arg6: memref<3x32x1024xf32, #tpu.memory_space<vmem>>, %arg7: memref<!tpu.dma_semaphore, #tpu.memory_space<semaphore_mem>>, %arg8: memref<!tpu.dma_semaphore, #tpu.memory_space<semaphore_mem>>, %arg9: memref<!tpu.dma_semaphore, #tpu.memory_space<semaphore_mem>>, %arg10: memref<!tpu.dma_semaphore, #tpu.memory_space<semaphore_mem>>, %arg11: memref<!tpu.dma_semaphore, #tpu.memory_space<semaphore_mem>>, %arg12: memref<!tpu.dma_semaphore, #tpu.memory_space<semaphore_mem>>) attributes {dimension_semantics = [#tpu.dimension_semantics<core_parallel>, #tpu.dimension_semantics<subcore_parallel>], iteration_bounds = array<i64: 2, 16>, scalar_prefetch = 0 : i64, scratch_operands = 8 : i64, tpu.core_type = #tpu.core_type<sc_vector_subcore>, window_params = [{transform_indices = #map}, {transform_indices = #map}, {transform_indices = #map1}]} {
    %mul3A = arith.constant 2 : i32
    %mul3A_0 = arith.muli %arg1, %mul3A : i32
    %add3A = arith.addi %mul3A_0, %arg0 : i32
    %jit3A = arith.constant 8 : i32
    %div3A = arith.divsi %add3A, %jit3A : i32
    %sign3A = arith.constant 0 : i32
    %sign3A_1 = arith.cmpi sgt, %add3A, %sign3A : i32
    %sign3A_2 = arith.extui %sign3A_1 : i1 to i32
    %sign3A_3 = arith.constant 0 : i32
    %sign3A_4 = arith.cmpi slt, %add3A, %sign3A_3 : i32
    %sign3A_5 = arith.extui %sign3A_4 : i1 to i32
    %sign3A_6 = arith.subi %sign3A_2, %sign3A_5 : i32
    %sign3A_7 = arith.constant 0 : i32
    %sign3A_8 = arith.cmpi sgt, %jit3A, %sign3A_7 : i32
    %sign3A_9 = arith.extui %sign3A_8 : i1 to i32
    %sign3A_10 = arith.constant 0 : i32
    %sign3A_11 = arith.cmpi slt, %jit3A, %sign3A_10 : i32
    %sign3A_12 = arith.extui %sign3A_11 : i1 to i32
    %sign3A_13 = arith.subi %sign3A_9, %sign3A_12 : i32
    %ne3A = arith.cmpi ne, %sign3A_6, %sign3A_13 : i32
    %rem3A = arith.remsi %add3A, %jit3A : i32
    %ne3A_14 = arith.constant 0 : i32
    %ne3A_15 = arith.cmpi ne, %rem3A, %ne3A_14 : i32
    %and3A = arith.andi %ne3A, %ne3A_15 : i1
    %sub3A = arith.constant 1 : i32
    %sub3A_16 = arith.subi %div3A, %sub3A : i32
    %select_n3A = arith.select %and3A, %sub3A_16, %div3A : i32
    %jit3A_17 = arith.constant 8 : i32
    %eq3A = arith.constant 0 : i32
    %eq3A_18 = arith.cmpi eq, %jit3A_17, %eq3A : i32
    %jit3A_19 = arith.constant 1 : i32
    %select_n3A_20 = arith.select %eq3A_18, %jit3A_19, %jit3A_17 : i32
    %rem3A_21 = arith.remsi %add3A, %select_n3A_20 : i32
    %ne3A_22 = arith.constant 0 : i32
    %ne3A_23 = arith.cmpi ne, %rem3A_21, %ne3A_22 : i32
    %lt3A = arith.constant 0 : i32
    %lt3A_24 = arith.cmpi slt, %rem3A_21, %lt3A : i32
    %lt3A_25 = arith.constant 0 : i32
    %lt3A_26 = arith.cmpi slt, %select_n3A_20, %lt3A_25 : i32
    %ne3A_27 = arith.xori %lt3A_24, %lt3A_26 : i1
    %and3A_28 = arith.andi %ne3A_27, %ne3A_23 : i1
    %add3A_29 = arith.addi %rem3A_21, %select_n3A_20 : i32
    %select_n3A_30 = arith.select %and3A_28, %add3A_29, %rem3A_21 : i32
    %mul3A_31 = arith.constant 1024 : i32
    %mul3A_32 = arith.muli %select_n3A_30, %mul3A_31 : i32
    "tpu.region"() ({
      %run_scoped3A = tpu.sem_alloc : memref<!tpu.dma_semaphore, #tpu.memory_space<semaphore_mem>>
      %dma_start3A_171 = tpu.memref_slice %arg2[%select_n3A, %mul3A_32] : memref<4x8192xi32, #tpu.memory_space<hbm>> -> memref<1x1024xi32, #tpu.memory_space<hbm>>
      %dma_start3A_172 = tpu.memref_squeeze %dma_start3A_171 : memref<1x1024xi32, #tpu.memory_space<hbm>> -> memref<1024xi32, #tpu.memory_space<hbm>>
      %dma_start3A_173 = tpu.memref_slice %arg2[%select_n3A, %mul3A_32] : memref<4x8192xi32, #tpu.memory_space<hbm>> -> memref<1x1024xi32, #tpu.memory_space<hbm>>
      %dma_start3A_174 = tpu.memref_squeeze %dma_start3A_173 : memref<1x1024xi32, #tpu.memory_space<hbm>> -> memref<1024xi32, #tpu.memory_space<hbm>>
      tpu.enqueue_dma source(%dma_start3A_174 : memref<1024xi32, #tpu.memory_space<hbm>>) target(%arg5 : memref<1024xi32, #tpu.memory_space<vmem>>) target_semaphore(%run_scoped3A : memref<!tpu.dma_semaphore, #tpu.memory_space<semaphore_mem>>)
      %dma_wait3A_175 = tpu.memref_slice %arg2[%select_n3A, %mul3A_32] : memref<4x8192xi32, #tpu.memory_space<hbm>> -> memref<1x1024xi32, #tpu.memory_space<hbm>>
      %dma_wait3A_176 = tpu.memref_squeeze %dma_wait3A_175 : memref<1x1024xi32, #tpu.memory_space<hbm>> -> memref<1024xi32, #tpu.memory_space<hbm>>
      %dma_wait3A_177 = tpu.memref_slice %arg2[%select_n3A, %mul3A_32] : memref<4x8192xi32, #tpu.memory_space<hbm>> -> memref<1x1024xi32, #tpu.memory_space<hbm>>
      %dma_wait3A_178 = tpu.memref_squeeze %dma_wait3A_177 : memref<1x1024xi32, #tpu.memory_space<hbm>> -> memref<1024xi32, #tpu.memory_space<hbm>>
      tpu.wait_dma2 semaphore(%run_scoped3A : memref<!tpu.dma_semaphore, #tpu.memory_space<semaphore_mem>>) src(%dma_wait3A_178 : memref<1024xi32, #tpu.memory_space<hbm>>) dst(%arg5 : memref<1024xi32, #tpu.memory_space<vmem>>)
      tpu.yield
    }) : () -> ()
    %dma_start3A = arith.constant 0 : i32
    %dma_start3A_33 = arith.constant 0 : i32
    %dma_start3A_34 = arith.constant 0 : i32
    %dma_start3A_35 = tpu.memref_slice %arg6[%dma_start3A, %dma_start3A_33, %dma_start3A_34] : memref<3x32x1024xf32, #tpu.memory_space<vmem>> -> memref<1x32x1024xf32, #tpu.memory_space<vmem>>
    %dma_start3A_36 = tpu.memref_squeeze %dma_start3A_35 : memref<1x32x1024xf32, #tpu.memory_space<vmem>> -> memref<32x1024xf32, #tpu.memory_space<vmem>>
    %dma_start3A_37 = arith.constant 0 : i32
    %dma_start3A_38 = tpu.memref_slice %arg5[%dma_start3A_37] : memref<1024xi32, #tpu.memory_space<vmem>> -> memref<32xi32, #tpu.memory_space<vmem>>
    %dma_start3A_39 = arith.constant 0 : i32
    %dma_start3A_40 = arith.constant 0 : i32
    %dma_start3A_41 = tpu.memref_slice %arg3[%dma_start3A_39, %dma_start3A_40] : memref<100000x1024xf32, #tpu.memory_space<hbm>> -> memref<100000x1024xf32, #tpu.memory_space<hbm>>
    tpu.enqueue_indirect_dma source(%dma_start3A_41 : memref<100000x1024xf32, #tpu.memory_space<hbm>>) target(%dma_start3A_36 : memref<32x1024xf32, #tpu.memory_space<vmem>>) offsets(%dma_start3A_38 : memref<32xi32, #tpu.memory_space<vmem>>) semaphore(%arg7 : memref<!tpu.dma_semaphore, #tpu.memory_space<semaphore_mem>>)
    %scan3A = arith.constant 0 : i32
    %scan3A_42 = arith.constant 0 : i32
    %scan3A_43 = arith.constant 10 : i32
    %scan3A_44 = arith.addi %scan3A_42, %scan3A_43 : i32
    %scan3A_45 = arith.constant 1 : i32
    %scan3A_46 = scf.for %scan3A_171 = %scan3A_42 to %scan3A_44 step %scan3A_45 iter_args(%scan3A_172 = %scan3A) -> (i32)  : i32 {
      %mul3A_173 = arith.constant 3 : i32
      %mul3A_174 = arith.muli %scan3A_171, %mul3A_173 : i32
      %add3A_175 = arith.constant 0 : i32
      %add3A_176 = arith.addi %mul3A_174, %add3A_175 : i32
      %dma_wait3A_177 = arith.constant 0 : i32
      %dma_wait3A_178 = arith.constant 0 : i32
      %dma_wait3A_179 = arith.constant 0 : i32
      %dma_wait3A_180 = tpu.memref_slice %arg6[%dma_wait3A_177, %dma_wait3A_178, %dma_wait3A_179] : memref<3x32x1024xf32, #tpu.memory_space<vmem>> -> memref<1x32x1024xf32, #tpu.memory_space<vmem>>
      %dma_wait3A_181 = tpu.memref_squeeze %dma_wait3A_180 : memref<1x32x1024xf32, #tpu.memory_space<vmem>> -> memref<32x1024xf32, #tpu.memory_space<vmem>>
      %dma_wait3A_182 = arith.constant 0 : i32
      %dma_wait3A_183 = tpu.memref_slice %arg5[%dma_wait3A_182] : memref<1024xi32, #tpu.memory_space<vmem>> -> memref<32xi32, #tpu.memory_space<vmem>>
      %dma_wait3A_184 = arith.constant 0 : i32
      %dma_wait3A_185 = arith.constant 0 : i32
      %dma_wait3A_186 = tpu.memref_slice %arg3[%dma_wait3A_184, %dma_wait3A_185] : memref<100000x1024xf32, #tpu.memory_space<hbm>> -> memref<100000x1024xf32, #tpu.memory_space<hbm>>
      tpu.wait_indirect_dma semaphore(%arg7 : memref<!tpu.dma_semaphore, #tpu.memory_space<semaphore_mem>>) src(%dma_wait3A_186 : memref<100000x1024xf32, #tpu.memory_space<hbm>>) dst(%dma_wait3A_181 : memref<32x1024xf32, #tpu.memory_space<vmem>>)
      %mul3A_187 = arith.constant 32 : i32
      %mul3A_188 = arith.muli %add3A_176, %mul3A_187 : i32
      %add3A_189 = arith.addi %mul3A_32, %mul3A_188 : i32
      %dma_start3A_190 = arith.constant 0 : i32
      %dma_start3A_191 = arith.constant 0 : i32
      %dma_start3A_192 = arith.constant 0 : i32
      %dma_start3A_193 = tpu.memref_slice %arg6[%dma_start3A_190, %dma_start3A_191, %dma_start3A_192] : memref<3x32x1024xf32, #tpu.memory_space<vmem>> -> memref<1x32x1024xf32, #tpu.memory_space<vmem>>
      %dma_start3A_194 = tpu.memref_squeeze %dma_start3A_193 : memref<1x32x1024xf32, #tpu.memory_space<vmem>> -> memref<32x1024xf32, #tpu.memory_space<vmem>>
      %dma_start3A_195 = arith.constant 0 : i32
      %dma_start3A_196 = tpu.memref_slice %arg4[%select_n3A, %add3A_189, %dma_start3A_195] : memref<4x8192x1024xf32, #tpu.memory_space<hbm>> -> memref<1x32x1024xf32, #tpu.memory_space<hbm>>
      %dma_start3A_197 = tpu.memref_squeeze %dma_start3A_196 : memref<1x32x1024xf32, #tpu.memory_space<hbm>> -> memref<32x1024xf32, #tpu.memory_space<hbm>>
      %dma_start3A_198 = arith.constant 0 : i32
      %dma_start3A_199 = tpu.memref_slice %arg4[%select_n3A, %add3A_189, %dma_start3A_198] : memref<4x8192x1024xf32, #tpu.memory_space<hbm>> -> memref<1x32x1024xf32, #tpu.memory_space<hbm>>
      %dma_start3A_200 = tpu.memref_squeeze %dma_start3A_199 : memref<1x32x1024xf32, #tpu.memory_space<hbm>> -> memref<32x1024xf32, #tpu.memory_space<hbm>>
      %dma_start3A_201 = arith.constant 0 : i32
      %dma_start3A_202 = arith.constant 0 : i32
      %dma_start3A_203 = tpu.memref_slice %arg6[%dma_start3A_190, %dma_start3A_201, %dma_start3A_202] : memref<3x32x1024xf32, #tpu.memory_space<vmem>> -> memref<1x32x1024xf32, #tpu.memory_space<vmem>>
      %dma_start3A_204 = tpu.memref_squeeze %dma_start3A_203 : memref<1x32x1024xf32, #tpu.memory_space<vmem>> -> memref<32x1024xf32, #tpu.memory_space<vmem>>
      tpu.enqueue_dma source(%dma_start3A_204 : memref<32x1024xf32, #tpu.memory_space<vmem>>) target(%dma_start3A_200 : memref<32x1024xf32, #tpu.memory_space<hbm>>) target_semaphore(%arg10 : memref<!tpu.dma_semaphore, #tpu.memory_space<semaphore_mem>>)
      %add3A_205 = arith.constant 1 : i32
      %add3A_206 = arith.addi %add3A_176, %add3A_205 : i32
      %lt3A_207 = arith.constant 32 : i32
      %lt3A_208 = arith.cmpi slt, %add3A_206, %lt3A_207 : i32
      %convert_element_type3A = arith.extui %lt3A_208 : i1 to i32
      %cond3A = arith.constant 0 : i32
      %cond3A_209 = arith.cmpi ne, %convert_element_type3A, %cond3A : i32
      scf.if %cond3A_209 {
        %add3A_289 = arith.constant 1 : i32
        %add3A_290 = arith.addi %add3A_176, %add3A_289 : i32
        %ge3A = arith.constant 3 : i32
        %ge3A_291 = arith.cmpi sge, %add3A_290, %ge3A : i32
        %convert_element_type3A_292 = arith.extui %ge3A_291 : i1 to i32
        %cond3A_293 = arith.constant 0 : i32
        %cond3A_294 = arith.cmpi ne, %convert_element_type3A_292, %cond3A_293 : i32
        scf.if %cond3A_294 {
          %dma_wait3A_308 = arith.constant 1 : i32
          %dma_wait3A_309 = arith.constant 0 : i32
          %dma_wait3A_310 = arith.constant 0 : i32
          %dma_wait3A_311 = tpu.memref_slice %arg6[%dma_wait3A_308, %dma_wait3A_309, %dma_wait3A_310] : memref<3x32x1024xf32, #tpu.memory_space<vmem>> -> memref<1x32x1024xf32, #tpu.memory_space<vmem>>
          %dma_wait3A_312 = tpu.memref_squeeze %dma_wait3A_311 : memref<1x32x1024xf32, #tpu.memory_space<vmem>> -> memref<32x1024xf32, #tpu.memory_space<vmem>>
          %dma_wait3A_313 = arith.constant 0 : i32
          %dma_wait3A_314 = tpu.memref_slice %arg4[%select_n3A, %mul3A_32, %dma_wait3A_313] : memref<4x8192x1024xf32, #tpu.memory_space<hbm>> -> memref<1x32x1024xf32, #tpu.memory_space<hbm>>
          %dma_wait3A_315 = tpu.memref_squeeze %dma_wait3A_314 : memref<1x32x1024xf32, #tpu.memory_space<hbm>> -> memref<32x1024xf32, #tpu.memory_space<hbm>>
          %dma_wait3A_316 = arith.constant 0 : i32
          %dma_wait3A_317 = tpu.memref_slice %arg4[%select_n3A, %mul3A_32, %dma_wait3A_316] : memref<4x8192x1024xf32, #tpu.memory_space<hbm>> -> memref<1x32x1024xf32, #tpu.memory_space<hbm>>
          %dma_wait3A_318 = tpu.memref_squeeze %dma_wait3A_317 : memref<1x32x1024xf32, #tpu.memory_space<hbm>> -> memref<32x1024xf32, #tpu.memory_space<hbm>>
          %dma_wait3A_319 = arith.constant 0 : i32
          %dma_wait3A_320 = arith.constant 0 : i32
          %dma_wait3A_321 = tpu.memref_slice %arg6[%dma_wait3A_308, %dma_wait3A_319, %dma_wait3A_320] : memref<3x32x1024xf32, #tpu.memory_space<vmem>> -> memref<1x32x1024xf32, #tpu.memory_space<vmem>>
          %dma_wait3A_322 = tpu.memref_squeeze %dma_wait3A_321 : memref<1x32x1024xf32, #tpu.memory_space<vmem>> -> memref<32x1024xf32, #tpu.memory_space<vmem>>
          tpu.wait_dma2 semaphore(%arg11 : memref<!tpu.dma_semaphore, #tpu.memory_space<semaphore_mem>>) src(%dma_wait3A_322 : memref<32x1024xf32, #tpu.memory_space<vmem>>) dst(%dma_wait3A_318 : memref<32x1024xf32, #tpu.memory_space<hbm>>)
        } else {
        }
        %add3A_295 = arith.constant 1 : i32
        %add3A_296 = arith.addi %add3A_176, %add3A_295 : i32
        %mul3A_297 = arith.constant 32 : i32
        %mul3A_298 = arith.muli %add3A_296, %mul3A_297 : i32
        %dma_start3A_299 = arith.constant 1 : i32
        %dma_start3A_300 = arith.constant 0 : i32
        %dma_start3A_301 = arith.constant 0 : i32
        %dma_start3A_302 = tpu.memref_slice %arg6[%dma_start3A_299, %dma_start3A_300, %dma_start3A_301] : memref<3x32x1024xf32, #tpu.memory_space<vmem>> -> memref<1x32x1024xf32, #tpu.memory_space<vmem>>
        %dma_start3A_303 = tpu.memref_squeeze %dma_start3A_302 : memref<1x32x1024xf32, #tpu.memory_space<vmem>> -> memref<32x1024xf32, #tpu.memory_space<vmem>>
        %dma_start3A_304 = tpu.memref_slice %arg5[%mul3A_298] : memref<1024xi32, #tpu.memory_space<vmem>> -> memref<32xi32, #tpu.memory_space<vmem>>
        %dma_start3A_305 = arith.constant 0 : i32
        %dma_start3A_306 = arith.constant 0 : i32
        %dma_start3A_307 = tpu.memref_slice %arg3[%dma_start3A_305, %dma_start3A_306] : memref<100000x1024xf32, #tpu.memory_space<hbm>> -> memref<100000x1024xf32, #tpu.memory_space<hbm>>
        tpu.enqueue_indirect_dma source(%dma_start3A_307 : memref<100000x1024xf32, #tpu.memory_space<hbm>>) target(%dma_start3A_303 : memref<32x1024xf32, #tpu.memory_space<vmem>>) offsets(%dma_start3A_304 : memref<32xi32, #tpu.memory_space<vmem>>) semaphore(%arg8 : memref<!tpu.dma_semaphore, #tpu.memory_space<semaphore_mem>>)
      } else {
      }
      %mul3A_210 = arith.constant 3 : i32
      %mul3A_211 = arith.muli %scan3A_171, %mul3A_210 : i32
      %add3A_212 = arith.constant 1 : i32
      %add3A_213 = arith.addi %mul3A_211, %add3A_212 : i32
      %dma_wait3A_214 = arith.constant 1 : i32
      %dma_wait3A_215 = arith.constant 0 : i32
      %dma_wait3A_216 = arith.constant 0 : i32
      %dma_wait3A_217 = tpu.memref_slice %arg6[%dma_wait3A_214, %dma_wait3A_215, %dma_wait3A_216] : memref<3x32x1024xf32, #tpu.memory_space<vmem>> -> memref<1x32x1024xf32, #tpu.memory_space<vmem>>
      %dma_wait3A_218 = tpu.memref_squeeze %dma_wait3A_217 : memref<1x32x1024xf32, #tpu.memory_space<vmem>> -> memref<32x1024xf32, #tpu.memory_space<vmem>>
      %dma_wait3A_219 = arith.constant 0 : i32
      %dma_wait3A_220 = tpu.memref_slice %arg5[%dma_wait3A_219] : memref<1024xi32, #tpu.memory_space<vmem>> -> memref<32xi32, #tpu.memory_space<vmem>>
      %dma_wait3A_221 = arith.constant 0 : i32
      %dma_wait3A_222 = arith.constant 0 : i32
      %dma_wait3A_223 = tpu.memref_slice %arg3[%dma_wait3A_221, %dma_wait3A_222] : memref<100000x1024xf32, #tpu.memory_space<hbm>> -> memref<100000x1024xf32, #tpu.memory_space<hbm>>
      tpu.wait_indirect_dma semaphore(%arg8 : memref<!tpu.dma_semaphore, #tpu.memory_space<semaphore_mem>>) src(%dma_wait3A_223 : memref<100000x1024xf32, #tpu.memory_space<hbm>>) dst(%dma_wait3A_218 : memref<32x1024xf32, #tpu.memory_space<vmem>>)
      %mul3A_224 = arith.constant 32 : i32
      %mul3A_225 = arith.muli %add3A_213, %mul3A_224 : i32
      %add3A_226 = arith.addi %mul3A_32, %mul3A_225 : i32
      %dma_start3A_227 = arith.constant 1 : i32
      %dma_start3A_228 = arith.constant 0 : i32
      %dma_start3A_229 = arith.constant 0 : i32
      %dma_start3A_230 = tpu.memref_slice %arg6[%dma_start3A_227, %dma_start3A_228, %dma_start3A_229] : memref<3x32x1024xf32, #tpu.memory_space<vmem>> -> memref<1x32x1024xf32, #tpu.memory_space<vmem>>
      %dma_start3A_231 = tpu.memref_squeeze %dma_start3A_230 : memref<1x32x1024xf32, #tpu.memory_space<vmem>> -> memref<32x1024xf32, #tpu.memory_space<vmem>>
      %dma_start3A_232 = arith.constant 0 : i32
      %dma_start3A_233 = tpu.memref_slice %arg4[%select_n3A, %add3A_226, %dma_start3A_232] : memref<4x8192x1024xf32, #tpu.memory_space<hbm>> -> memref<1x32x1024xf32, #tpu.memory_space<hbm>>
      %dma_start3A_234 = tpu.memref_squeeze %dma_start3A_233 : memref<1x32x1024xf32, #tpu.memory_space<hbm>> -> memref<32x1024xf32, #tpu.memory_space<hbm>>
      %dma_start3A_235 = arith.constant 0 : i32
      %dma_start3A_236 = tpu.memref_slice %arg4[%select_n3A, %add3A_226, %dma_start3A_235] : memref<4x8192x1024xf32, #tpu.memory_space<hbm>> -> memref<1x32x1024xf32, #tpu.memory_space<hbm>>
      %dma_start3A_237 = tpu.memref_squeeze %dma_start3A_236 : memref<1x32x1024xf32, #tpu.memory_space<hbm>> -> memref<32x1024xf32, #tpu.memory_space<hbm>>
      %dma_start3A_238 = arith.constant 0 : i32
      %dma_start3A_239 = arith.constant 0 : i32
      %dma_start3A_240 = tpu.memref_slice %arg6[%dma_start3A_227, %dma_start3A_238, %dma_start3A_239] : memref<3x32x1024xf32, #tpu.memory_space<vmem>> -> memref<1x32x1024xf32, #tpu.memory_space<vmem>>
      %dma_start3A_241 = tpu.memref_squeeze %dma_start3A_240 : memref<1x32x1024xf32, #tpu.memory_space<vmem>> -> memref<32x1024xf32, #tpu.memory_space<vmem>>
      tpu.enqueue_dma source(%dma_start3A_241 : memref<32x1024xf32, #tpu.memory_space<vmem>>) target(%dma_start3A_237 : memref<32x1024xf32, #tpu.memory_space<hbm>>) target_semaphore(%arg11 : memref<!tpu.dma_semaphore, #tpu.memory_space<semaphore_mem>>)
      %add3A_242 = arith.constant 1 : i32
      %add3A_243 = arith.addi %add3A_213, %add3A_242 : i32
      %lt3A_244 = arith.constant 32 : i32
      %lt3A_245 = arith.cmpi slt, %add3A_243, %lt3A_244 : i32
      %convert_element_type3A_246 = arith.extui %lt3A_245 : i1 to i32
      %cond3A_247 = arith.constant 0 : i32
      %cond3A_248 = arith.cmpi ne, %convert_element_type3A_246, %cond3A_247 : i32
      scf.if %cond3A_248 {
        %add3A_289 = arith.constant 1 : i32
        %add3A_290 = arith.addi %add3A_213, %add3A_289 : i32
        %ge3A = arith.constant 3 : i32
        %ge3A_291 = arith.cmpi sge, %add3A_290, %ge3A : i32
        %convert_element_type3A_292 = arith.extui %ge3A_291 : i1 to i32
        %cond3A_293 = arith.constant 0 : i32
        %cond3A_294 = arith.cmpi ne, %convert_element_type3A_292, %cond3A_293 : i32
        scf.if %cond3A_294 {
          %dma_wait3A_308 = arith.constant 2 : i32
          %dma_wait3A_309 = arith.constant 0 : i32
          %dma_wait3A_310 = arith.constant 0 : i32
          %dma_wait3A_311 = tpu.memref_slice %arg6[%dma_wait3A_308, %dma_wait3A_309, %dma_wait3A_310] : memref<3x32x1024xf32, #tpu.memory_space<vmem>> -> memref<1x32x1024xf32, #tpu.memory_space<vmem>>
          %dma_wait3A_312 = tpu.memref_squeeze %dma_wait3A_311 : memref<1x32x1024xf32, #tpu.memory_space<vmem>> -> memref<32x1024xf32, #tpu.memory_space<vmem>>
          %dma_wait3A_313 = arith.constant 0 : i32
          %dma_wait3A_314 = tpu.memref_slice %arg4[%select_n3A, %mul3A_32, %dma_wait3A_313] : memref<4x8192x1024xf32, #tpu.memory_space<hbm>> -> memref<1x32x1024xf32, #tpu.memory_space<hbm>>
          %dma_wait3A_315 = tpu.memref_squeeze %dma_wait3A_314 : memref<1x32x1024xf32, #tpu.memory_space<hbm>> -> memref<32x1024xf32, #tpu.memory_space<hbm>>
          %dma_wait3A_316 = arith.constant 0 : i32
          %dma_wait3A_317 = tpu.memref_slice %arg4[%select_n3A, %mul3A_32, %dma_wait3A_316] : memref<4x8192x1024xf32, #tpu.memory_space<hbm>> -> memref<1x32x1024xf32, #tpu.memory_space<hbm>>
          %dma_wait3A_318 = tpu.memref_squeeze %dma_wait3A_317 : memref<1x32x1024xf32, #tpu.memory_space<hbm>> -> memref<32x1024xf32, #tpu.memory_space<hbm>>
          %dma_wait3A_319 = arith.constant 0 : i32
          %dma_wait3A_320 = arith.constant 0 : i32
          %dma_wait3A_321 = tpu.memref_slice %arg6[%dma_wait3A_308, %dma_wait3A_319, %dma_wait3A_320] : memref<3x32x1024xf32, #tpu.memory_space<vmem>> -> memref<1x32x1024xf32, #tpu.memory_space<vmem>>
          %dma_wait3A_322 = tpu.memref_squeeze %dma_wait3A_321 : memref<1x32x1024xf32, #tpu.memory_space<vmem>> -> memref<32x1024xf32, #tpu.memory_space<vmem>>
          tpu.wait_dma2 semaphore(%arg12 : memref<!tpu.dma_semaphore, #tpu.memory_space<semaphore_mem>>) src(%dma_wait3A_322 : memref<32x1024xf32, #tpu.memory_space<vmem>>) dst(%dma_wait3A_318 : memref<32x1024xf32, #tpu.memory_space<hbm>>)
        } else {
        }
        %add3A_295 = arith.constant 1 : i32
        %add3A_296 = arith.addi %add3A_213, %add3A_295 : i32
        %mul3A_297 = arith.constant 32 : i32
        %mul3A_298 = arith.muli %add3A_296, %mul3A_297 : i32
        %dma_start3A_299 = arith.constant 2 : i32
        %dma_start3A_300 = arith.constant 0 : i32
        %dma_start3A_301 = arith.constant 0 : i32
        %dma_start3A_302 = tpu.memref_slice %arg6[%dma_start3A_299, %dma_start3A_300, %dma_start3A_301] : memref<3x32x1024xf32, #tpu.memory_space<vmem>> -> memref<1x32x1024xf32, #tpu.memory_space<vmem>>
        %dma_start3A_303 = tpu.memref_squeeze %dma_start3A_302 : memref<1x32x1024xf32, #tpu.memory_space<vmem>> -> memref<32x1024xf32, #tpu.memory_space<vmem>>
        %dma_start3A_304 = tpu.memref_slice %arg5[%mul3A_298] : memref<1024xi32, #tpu.memory_space<vmem>> -> memref<32xi32, #tpu.memory_space<vmem>>
        %dma_start3A_305 = arith.constant 0 : i32
        %dma_start3A_306 = arith.constant 0 : i32
        %dma_start3A_307 = tpu.memref_slice %arg3[%dma_start3A_305, %dma_start3A_306] : memref<100000x1024xf32, #tpu.memory_space<hbm>> -> memref<100000x1024xf32, #tpu.memory_space<hbm>>
        tpu.enqueue_indirect_dma source(%dma_start3A_307 : memref<100000x1024xf32, #tpu.memory_space<hbm>>) target(%dma_start3A_303 : memref<32x1024xf32, #tpu.memory_space<vmem>>) offsets(%dma_start3A_304 : memref<32xi32, #tpu.memory_space<vmem>>) semaphore(%arg9 : memref<!tpu.dma_semaphore, #tpu.memory_space<semaphore_mem>>)
      } else {
      }
      %mul3A_249 = arith.constant 3 : i32
      %mul3A_250 = arith.muli %scan3A_171, %mul3A_249 : i32
      %add3A_251 = arith.constant 2 : i32
      %add3A_252 = arith.addi %mul3A_250, %add3A_251 : i32
      %dma_wait3A_253 = arith.constant 2 : i32
      %dma_wait3A_254 = arith.constant 0 : i32
      %dma_wait3A_255 = arith.constant 0 : i32
      %dma_wait3A_256 = tpu.memref_slice %arg6[%dma_wait3A_253, %dma_wait3A_254, %dma_wait3A_255] : memref<3x32x1024xf32, #tpu.memory_space<vmem>> -> memref<1x32x1024xf32, #tpu.memory_space<vmem>>
      %dma_wait3A_257 = tpu.memref_squeeze %dma_wait3A_256 : memref<1x32x1024xf32, #tpu.memory_space<vmem>> -> memref<32x1024xf32, #tpu.memory_space<vmem>>
      %dma_wait3A_258 = arith.constant 0 : i32
      %dma_wait3A_259 = tpu.memref_slice %arg5[%dma_wait3A_258] : memref<1024xi32, #tpu.memory_space<vmem>> -> memref<32xi32, #tpu.memory_space<vmem>>
      %dma_wait3A_260 = arith.constant 0 : i32
      %dma_wait3A_261 = arith.constant 0 : i32
      %dma_wait3A_262 = tpu.memref_slice %arg3[%dma_wait3A_260, %dma_wait3A_261] : memref<100000x1024xf32, #tpu.memory_space<hbm>> -> memref<100000x1024xf32, #tpu.memory_space<hbm>>
      tpu.wait_indirect_dma semaphore(%arg9 : memref<!tpu.dma_semaphore, #tpu.memory_space<semaphore_mem>>) src(%dma_wait3A_262 : memref<100000x1024xf32, #tpu.memory_space<hbm>>) dst(%dma_wait3A_257 : memref<32x1024xf32, #tpu.memory_space<vmem>>)
      %mul3A_263 = arith.constant 32 : i32
      %mul3A_264 = arith.muli %add3A_252, %mul3A_263 : i32
      %add3A_265 = arith.addi %mul3A_32, %mul3A_264 : i32
      %dma_start3A_266 = arith.constant 2 : i32
      %dma_start3A_267 = arith.constant 0 : i32
      %dma_start3A_268 = arith.constant 0 : i32
      %dma_start3A_269 = tpu.memref_slice %arg6[%dma_start3A_266, %dma_start3A_267, %dma_start3A_268] : memref<3x32x1024xf32, #tpu.memory_space<vmem>> -> memref<1x32x1024xf32, #tpu.memory_space<vmem>>
      %dma_start3A_270 = tpu.memref_squeeze %dma_start3A_269 : memref<1x32x1024xf32, #tpu.memory_space<vmem>> -> memref<32x1024xf32, #tpu.memory_space<vmem>>
      %dma_start3A_271 = arith.constant 0 : i32
      %dma_start3A_272 = tpu.memref_slice %arg4[%select_n3A, %add3A_265, %dma_start3A_271] : memref<4x8192x1024xf32, #tpu.memory_space<hbm>> -> memref<1x32x1024xf32, #tpu.memory_space<hbm>>
      %dma_start3A_273 = tpu.memref_squeeze %dma_start3A_272 : memref<1x32x1024xf32, #tpu.memory_space<hbm>> -> memref<32x1024xf32, #tpu.memory_space<hbm>>
      %dma_start3A_274 = arith.constant 0 : i32
      %dma_start3A_275 = tpu.memref_slice %arg4[%select_n3A, %add3A_265, %dma_start3A_274] : memref<4x8192x1024xf32, #tpu.memory_space<hbm>> -> memref<1x32x1024xf32, #tpu.memory_space<hbm>>
      %dma_start3A_276 = tpu.memref_squeeze %dma_start3A_275 : memref<1x32x1024xf32, #tpu.memory_space<hbm>> -> memref<32x1024xf32, #tpu.memory_space<hbm>>
      %dma_start3A_277 = arith.constant 0 : i32
      %dma_start3A_278 = arith.constant 0 : i32
      %dma_start3A_279 = tpu.memref_slice %arg6[%dma_start3A_266, %dma_start3A_277, %dma_start3A_278] : memref<3x32x1024xf32, #tpu.memory_space<vmem>> -> memref<1x32x1024xf32, #tpu.memory_space<vmem>>
      %dma_start3A_280 = tpu.memref_squeeze %dma_start3A_279 : memref<1x32x1024xf32, #tpu.memory_space<vmem>> -> memref<32x1024xf32, #tpu.memory_space<vmem>>
      tpu.enqueue_dma source(%dma_start3A_280 : memref<32x1024xf32, #tpu.memory_space<vmem>>) target(%dma_start3A_276 : memref<32x1024xf32, #tpu.memory_space<hbm>>) target_semaphore(%arg12 : memref<!tpu.dma_semaphore, #tpu.memory_space<semaphore_mem>>)
      %add3A_281 = arith.constant 1 : i32
      %add3A_282 = arith.addi %add3A_252, %add3A_281 : i32
      %lt3A_283 = arith.constant 32 : i32
      %lt3A_284 = arith.cmpi slt, %add3A_282, %lt3A_283 : i32
      %convert_element_type3A_285 = arith.extui %lt3A_284 : i1 to i32
      %cond3A_286 = arith.constant 0 : i32
      %cond3A_287 = arith.cmpi ne, %convert_element_type3A_285, %cond3A_286 : i32
      scf.if %cond3A_287 {
        %add3A_289 = arith.constant 1 : i32
        %add3A_290 = arith.addi %add3A_252, %add3A_289 : i32
        %ge3A = arith.constant 3 : i32
        %ge3A_291 = arith.cmpi sge, %add3A_290, %ge3A : i32
        %convert_element_type3A_292 = arith.extui %ge3A_291 : i1 to i32
        %cond3A_293 = arith.constant 0 : i32
        %cond3A_294 = arith.cmpi ne, %convert_element_type3A_292, %cond3A_293 : i32
        scf.if %cond3A_294 {
          %dma_wait3A_308 = arith.constant 0 : i32
          %dma_wait3A_309 = arith.constant 0 : i32
          %dma_wait3A_310 = arith.constant 0 : i32
          %dma_wait3A_311 = tpu.memref_slice %arg6[%dma_wait3A_308, %dma_wait3A_309, %dma_wait3A_310] : memref<3x32x1024xf32, #tpu.memory_space<vmem>> -> memref<1x32x1024xf32, #tpu.memory_space<vmem>>
          %dma_wait3A_312 = tpu.memref_squeeze %dma_wait3A_311 : memref<1x32x1024xf32, #tpu.memory_space<vmem>> -> memref<32x1024xf32, #tpu.memory_space<vmem>>
          %dma_wait3A_313 = arith.constant 0 : i32
          %dma_wait3A_314 = tpu.memref_slice %arg4[%select_n3A, %mul3A_32, %dma_wait3A_313] : memref<4x8192x1024xf32, #tpu.memory_space<hbm>> -> memref<1x32x1024xf32, #tpu.memory_space<hbm>>
          %dma_wait3A_315 = tpu.memref_squeeze %dma_wait3A_314 : memref<1x32x1024xf32, #tpu.memory_space<hbm>> -> memref<32x1024xf32, #tpu.memory_space<hbm>>
          %dma_wait3A_316 = arith.constant 0 : i32
          %dma_wait3A_317 = tpu.memref_slice %arg4[%select_n3A, %mul3A_32, %dma_wait3A_316] : memref<4x8192x1024xf32, #tpu.memory_space<hbm>> -> memref<1x32x1024xf32, #tpu.memory_space<hbm>>
          %dma_wait3A_318 = tpu.memref_squeeze %dma_wait3A_317 : memref<1x32x1024xf32, #tpu.memory_space<hbm>> -> memref<32x1024xf32, #tpu.memory_space<hbm>>
          %dma_wait3A_319 = arith.constant 0 : i32
          %dma_wait3A_320 = arith.constant 0 : i32
          %dma_wait3A_321 = tpu.memref_slice %arg6[%dma_wait3A_308, %dma_wait3A_319, %dma_wait3A_320] : memref<3x32x1024xf32, #tpu.memory_space<vmem>> -> memref<1x32x1024xf32, #tpu.memory_space<vmem>>
          %dma_wait3A_322 = tpu.memref_squeeze %dma_wait3A_321 : memref<1x32x1024xf32, #tpu.memory_space<vmem>> -> memref<32x1024xf32, #tpu.memory_space<vmem>>
          tpu.wait_dma2 semaphore(%arg10 : memref<!tpu.dma_semaphore, #tpu.memory_space<semaphore_mem>>) src(%dma_wait3A_322 : memref<32x1024xf32, #tpu.memory_space<vmem>>) dst(%dma_wait3A_318 : memref<32x1024xf32, #tpu.memory_space<hbm>>)
        } else {
        }
        %add3A_295 = arith.constant 1 : i32
        %add3A_296 = arith.addi %add3A_252, %add3A_295 : i32
        %mul3A_297 = arith.constant 32 : i32
        %mul3A_298 = arith.muli %add3A_296, %mul3A_297 : i32
        %dma_start3A_299 = arith.constant 0 : i32
        %dma_start3A_300 = arith.constant 0 : i32
        %dma_start3A_301 = arith.constant 0 : i32
        %dma_start3A_302 = tpu.memref_slice %arg6[%dma_start3A_299, %dma_start3A_300, %dma_start3A_301] : memref<3x32x1024xf32, #tpu.memory_space<vmem>> -> memref<1x32x1024xf32, #tpu.memory_space<vmem>>
        %dma_start3A_303 = tpu.memref_squeeze %dma_start3A_302 : memref<1x32x1024xf32, #tpu.memory_space<vmem>> -> memref<32x1024xf32, #tpu.memory_space<vmem>>
        %dma_start3A_304 = tpu.memref_slice %arg5[%mul3A_298] : memref<1024xi32, #tpu.memory_space<vmem>> -> memref<32xi32, #tpu.memory_space<vmem>>
        %dma_start3A_305 = arith.constant 0 : i32
        %dma_start3A_306 = arith.constant 0 : i32
        %dma_start3A_307 = tpu.memref_slice %arg3[%dma_start3A_305, %dma_start3A_306] : memref<100000x1024xf32, #tpu.memory_space<hbm>> -> memref<100000x1024xf32, #tpu.memory_space<hbm>>
        tpu.enqueue_indirect_dma source(%dma_start3A_307 : memref<100000x1024xf32, #tpu.memory_space<hbm>>) target(%dma_start3A_303 : memref<32x1024xf32, #tpu.memory_space<vmem>>) offsets(%dma_start3A_304 : memref<32xi32, #tpu.memory_space<vmem>>) semaphore(%arg7 : memref<!tpu.dma_semaphore, #tpu.memory_space<semaphore_mem>>)
      } else {
      }
      %scan3A_288 = arith.constant 0 : i32
      scf.yield %scan3A_288 : i32
    }
    %scan3A_47 = arith.constant 10 : i32
    %dma_wait3A = arith.constant 0 : i32
    %dma_wait3A_48 = arith.constant 0 : i32
    %dma_wait3A_49 = arith.constant 0 : i32
    %dma_wait3A_50 = tpu.memref_slice %arg6[%dma_wait3A, %dma_wait3A_48, %dma_wait3A_49] : memref<3x32x1024xf32, #tpu.memory_space<vmem>> -> memref<1x32x1024xf32, #tpu.memory_space<vmem>>
    %dma_wait3A_51 = tpu.memref_squeeze %dma_wait3A_50 : memref<1x32x1024xf32, #tpu.memory_space<vmem>> -> memref<32x1024xf32, #tpu.memory_space<vmem>>
    %dma_wait3A_52 = arith.constant 0 : i32
    %dma_wait3A_53 = tpu.memref_slice %arg5[%dma_wait3A_52] : memref<1024xi32, #tpu.memory_space<vmem>> -> memref<32xi32, #tpu.memory_space<vmem>>
    %dma_wait3A_54 = arith.constant 0 : i32
    %dma_wait3A_55 = arith.constant 0 : i32
    %dma_wait3A_56 = tpu.memref_slice %arg3[%dma_wait3A_54, %dma_wait3A_55] : memref<100000x1024xf32, #tpu.memory_space<hbm>> -> memref<100000x1024xf32, #tpu.memory_space<hbm>>
    tpu.wait_indirect_dma semaphore(%arg7 : memref<!tpu.dma_semaphore, #tpu.memory_space<semaphore_mem>>) src(%dma_wait3A_56 : memref<100000x1024xf32, #tpu.memory_space<hbm>>) dst(%dma_wait3A_51 : memref<32x1024xf32, #tpu.memory_space<vmem>>)
    %add3A_57 = arith.constant 960 : i32
    %add3A_58 = arith.addi %mul3A_32, %add3A_57 : i32
    %dma_start3A_59 = arith.constant 0 : i32
    %dma_start3A_60 = arith.constant 0 : i32
    %dma_start3A_61 = arith.constant 0 : i32
    %dma_start3A_62 = tpu.memref_slice %arg6[%dma_start3A_59, %dma_start3A_60, %dma_start3A_61] : memref<3x32x1024xf32, #tpu.memory_space<vmem>> -> memref<1x32x1024xf32, #tpu.memory_space<vmem>>
    %dma_start3A_63 = tpu.memref_squeeze %dma_start3A_62 : memref<1x32x1024xf32, #tpu.memory_space<vmem>> -> memref<32x1024xf32, #tpu.memory_space<vmem>>
    %dma_start3A_64 = arith.constant 0 : i32
    %dma_start3A_65 = tpu.memref_slice %arg4[%select_n3A, %add3A_58, %dma_start3A_64] : memref<4x8192x1024xf32, #tpu.memory_space<hbm>> -> memref<1x32x1024xf32, #tpu.memory_space<hbm>>
    %dma_start3A_66 = tpu.memref_squeeze %dma_start3A_65 : memref<1x32x1024xf32, #tpu.memory_space<hbm>> -> memref<32x1024xf32, #tpu.memory_space<hbm>>
    %dma_start3A_67 = arith.constant 0 : i32
    %dma_start3A_68 = tpu.memref_slice %arg4[%select_n3A, %add3A_58, %dma_start3A_67] : memref<4x8192x1024xf32, #tpu.memory_space<hbm>> -> memref<1x32x1024xf32, #tpu.memory_space<hbm>>
    %dma_start3A_69 = tpu.memref_squeeze %dma_start3A_68 : memref<1x32x1024xf32, #tpu.memory_space<hbm>> -> memref<32x1024xf32, #tpu.memory_space<hbm>>
    %dma_start3A_70 = arith.constant 0 : i32
    %dma_start3A_71 = arith.constant 0 : i32
    %dma_start3A_72 = tpu.memref_slice %arg6[%dma_start3A_59, %dma_start3A_70, %dma_start3A_71] : memref<3x32x1024xf32, #tpu.memory_space<vmem>> -> memref<1x32x1024xf32, #tpu.memory_space<vmem>>
    %dma_start3A_73 = tpu.memref_squeeze %dma_start3A_72 : memref<1x32x1024xf32, #tpu.memory_space<vmem>> -> memref<32x1024xf32, #tpu.memory_space<vmem>>
    tpu.enqueue_dma source(%dma_start3A_73 : memref<32x1024xf32, #tpu.memory_space<vmem>>) target(%dma_start3A_69 : memref<32x1024xf32, #tpu.memory_space<hbm>>) target_semaphore(%arg10 : memref<!tpu.dma_semaphore, #tpu.memory_space<semaphore_mem>>)
    %dma_wait3A_74 = arith.constant 1 : i32
    %dma_wait3A_75 = arith.constant 0 : i32
    %dma_wait3A_76 = arith.constant 0 : i32
    %dma_wait3A_77 = tpu.memref_slice %arg6[%dma_wait3A_74, %dma_wait3A_75, %dma_wait3A_76] : memref<3x32x1024xf32, #tpu.memory_space<vmem>> -> memref<1x32x1024xf32, #tpu.memory_space<vmem>>
    %dma_wait3A_78 = tpu.memref_squeeze %dma_wait3A_77 : memref<1x32x1024xf32, #tpu.memory_space<vmem>> -> memref<32x1024xf32, #tpu.memory_space<vmem>>
    %dma_wait3A_79 = arith.constant 0 : i32
    %dma_wait3A_80 = tpu.memref_slice %arg4[%select_n3A, %mul3A_32, %dma_wait3A_79] : memref<4x8192x1024xf32, #tpu.memory_space<hbm>> -> memref<1x32x1024xf32, #tpu.memory_space<hbm>>
    %dma_wait3A_81 = tpu.memref_squeeze %dma_wait3A_80 : memref<1x32x1024xf32, #tpu.memory_space<hbm>> -> memref<32x1024xf32, #tpu.memory_space<hbm>>
    %dma_wait3A_82 = arith.constant 0 : i32
    %dma_wait3A_83 = tpu.memref_slice %arg4[%select_n3A, %mul3A_32, %dma_wait3A_82] : memref<4x8192x1024xf32, #tpu.memory_space<hbm>> -> memref<1x32x1024xf32, #tpu.memory_space<hbm>>
    %dma_wait3A_84 = tpu.memref_squeeze %dma_wait3A_83 : memref<1x32x1024xf32, #tpu.memory_space<hbm>> -> memref<32x1024xf32, #tpu.memory_space<hbm>>
    %dma_wait3A_85 = arith.constant 0 : i32
    %dma_wait3A_86 = arith.constant 0 : i32
    %dma_wait3A_87 = tpu.memref_slice %arg6[%dma_wait3A_74, %dma_wait3A_85, %dma_wait3A_86] : memref<3x32x1024xf32, #tpu.memory_space<vmem>> -> memref<1x32x1024xf32, #tpu.memory_space<vmem>>
    %dma_wait3A_88 = tpu.memref_squeeze %dma_wait3A_87 : memref<1x32x1024xf32, #tpu.memory_space<vmem>> -> memref<32x1024xf32, #tpu.memory_space<vmem>>
    tpu.wait_dma2 semaphore(%arg11 : memref<!tpu.dma_semaphore, #tpu.memory_space<semaphore_mem>>) src(%dma_wait3A_88 : memref<32x1024xf32, #tpu.memory_space<vmem>>) dst(%dma_wait3A_84 : memref<32x1024xf32, #tpu.memory_space<hbm>>)
    %dma_start3A_89 = arith.constant 1 : i32
    %dma_start3A_90 = arith.constant 0 : i32
    %dma_start3A_91 = arith.constant 0 : i32
    %dma_start3A_92 = tpu.memref_slice %arg6[%dma_start3A_89, %dma_start3A_90, %dma_start3A_91] : memref<3x32x1024xf32, #tpu.memory_space<vmem>> -> memref<1x32x1024xf32, #tpu.memory_space<vmem>>
    %dma_start3A_93 = tpu.memref_squeeze %dma_start3A_92 : memref<1x32x1024xf32, #tpu.memory_space<vmem>> -> memref<32x1024xf32, #tpu.memory_space<vmem>>
    %dma_start3A_94 = arith.constant 992 : i32
    %dma_start3A_95 = tpu.memref_slice %arg5[%dma_start3A_94] : memref<1024xi32, #tpu.memory_space<vmem>> -> memref<32xi32, #tpu.memory_space<vmem>>
    %dma_start3A_96 = arith.constant 0 : i32
    %dma_start3A_97 = arith.constant 0 : i32
    %dma_start3A_98 = tpu.memref_slice %arg3[%dma_start3A_96, %dma_start3A_97] : memref<100000x1024xf32, #tpu.memory_space<hbm>> -> memref<100000x1024xf32, #tpu.memory_space<hbm>>
    tpu.enqueue_indirect_dma source(%dma_start3A_98 : memref<100000x1024xf32, #tpu.memory_space<hbm>>) target(%dma_start3A_93 : memref<32x1024xf32, #tpu.memory_space<vmem>>) offsets(%dma_start3A_95 : memref<32xi32, #tpu.memory_space<vmem>>) semaphore(%arg8 : memref<!tpu.dma_semaphore, #tpu.memory_space<semaphore_mem>>)
    %dma_wait3A_99 = arith.constant 1 : i32
    %dma_wait3A_100 = arith.constant 0 : i32
    %dma_wait3A_101 = arith.constant 0 : i32
    %dma_wait3A_102 = tpu.memref_slice %arg6[%dma_wait3A_99, %dma_wait3A_100, %dma_wait3A_101] : memref<3x32x1024xf32, #tpu.memory_space<vmem>> -> memref<1x32x1024xf32, #tpu.memory_space<vmem>>
    %dma_wait3A_103 = tpu.memref_squeeze %dma_wait3A_102 : memref<1x32x1024xf32, #tpu.memory_space<vmem>> -> memref<32x1024xf32, #tpu.memory_space<vmem>>
    %dma_wait3A_104 = arith.constant 0 : i32
    %dma_wait3A_105 = tpu.memref_slice %arg5[%dma_wait3A_104] : memref<1024xi32, #tpu.memory_space<vmem>> -> memref<32xi32, #tpu.memory_space<vmem>>
    %dma_wait3A_106 = arith.constant 0 : i32
    %dma_wait3A_107 = arith.constant 0 : i32
    %dma_wait3A_108 = tpu.memref_slice %arg3[%dma_wait3A_106, %dma_wait3A_107] : memref<100000x1024xf32, #tpu.memory_space<hbm>> -> memref<100000x1024xf32, #tpu.memory_space<hbm>>
    tpu.wait_indirect_dma semaphore(%arg8 : memref<!tpu.dma_semaphore, #tpu.memory_space<semaphore_mem>>) src(%dma_wait3A_108 : memref<100000x1024xf32, #tpu.memory_space<hbm>>) dst(%dma_wait3A_103 : memref<32x1024xf32, #tpu.memory_space<vmem>>)
    %add3A_109 = arith.constant 992 : i32
    %add3A_110 = arith.addi %mul3A_32, %add3A_109 : i32
    %dma_start3A_111 = arith.constant 1 : i32
    %dma_start3A_112 = arith.constant 0 : i32
    %dma_start3A_113 = arith.constant 0 : i32
    %dma_start3A_114 = tpu.memref_slice %arg6[%dma_start3A_111, %dma_start3A_112, %dma_start3A_113] : memref<3x32x1024xf32, #tpu.memory_space<vmem>> -> memref<1x32x1024xf32, #tpu.memory_space<vmem>>
    %dma_start3A_115 = tpu.memref_squeeze %dma_start3A_114 : memref<1x32x1024xf32, #tpu.memory_space<vmem>> -> memref<32x1024xf32, #tpu.memory_space<vmem>>
    %dma_start3A_116 = arith.constant 0 : i32
    %dma_start3A_117 = tpu.memref_slice %arg4[%select_n3A, %add3A_110, %dma_start3A_116] : memref<4x8192x1024xf32, #tpu.memory_space<hbm>> -> memref<1x32x1024xf32, #tpu.memory_space<hbm>>
    %dma_start3A_118 = tpu.memref_squeeze %dma_start3A_117 : memref<1x32x1024xf32, #tpu.memory_space<hbm>> -> memref<32x1024xf32, #tpu.memory_space<hbm>>
    %dma_start3A_119 = arith.constant 0 : i32
    %dma_start3A_120 = tpu.memref_slice %arg4[%select_n3A, %add3A_110, %dma_start3A_119] : memref<4x8192x1024xf32, #tpu.memory_space<hbm>> -> memref<1x32x1024xf32, #tpu.memory_space<hbm>>
    %dma_start3A_121 = tpu.memref_squeeze %dma_start3A_120 : memref<1x32x1024xf32, #tpu.memory_space<hbm>> -> memref<32x1024xf32, #tpu.memory_space<hbm>>
    %dma_start3A_122 = arith.constant 0 : i32
    %dma_start3A_123 = arith.constant 0 : i32
    %dma_start3A_124 = tpu.memref_slice %arg6[%dma_start3A_111, %dma_start3A_122, %dma_start3A_123] : memref<3x32x1024xf32, #tpu.memory_space<vmem>> -> memref<1x32x1024xf32, #tpu.memory_space<vmem>>
    %dma_start3A_125 = tpu.memref_squeeze %dma_start3A_124 : memref<1x32x1024xf32, #tpu.memory_space<vmem>> -> memref<32x1024xf32, #tpu.memory_space<vmem>>
    tpu.enqueue_dma source(%dma_start3A_125 : memref<32x1024xf32, #tpu.memory_space<vmem>>) target(%dma_start3A_121 : memref<32x1024xf32, #tpu.memory_space<hbm>>) target_semaphore(%arg11 : memref<!tpu.dma_semaphore, #tpu.memory_space<semaphore_mem>>)
    %dma_wait3A_126 = arith.constant 0 : i32
    %dma_wait3A_127 = arith.constant 0 : i32
    %dma_wait3A_128 = arith.constant 0 : i32
    %dma_wait3A_129 = tpu.memref_slice %arg6[%dma_wait3A_126, %dma_wait3A_127, %dma_wait3A_128] : memref<3x32x1024xf32, #tpu.memory_space<vmem>> -> memref<1x32x1024xf32, #tpu.memory_space<vmem>>
    %dma_wait3A_130 = tpu.memref_squeeze %dma_wait3A_129 : memref<1x32x1024xf32, #tpu.memory_space<vmem>> -> memref<32x1024xf32, #tpu.memory_space<vmem>>
    %dma_wait3A_131 = arith.constant 0 : i32
    %dma_wait3A_132 = tpu.memref_slice %arg4[%select_n3A, %mul3A_32, %dma_wait3A_131] : memref<4x8192x1024xf32, #tpu.memory_space<hbm>> -> memref<1x32x1024xf32, #tpu.memory_space<hbm>>
    %dma_wait3A_133 = tpu.memref_squeeze %dma_wait3A_132 : memref<1x32x1024xf32, #tpu.memory_space<hbm>> -> memref<32x1024xf32, #tpu.memory_space<hbm>>
    %dma_wait3A_134 = arith.constant 0 : i32
    %dma_wait3A_135 = tpu.memref_slice %arg4[%select_n3A, %mul3A_32, %dma_wait3A_134] : memref<4x8192x1024xf32, #tpu.memory_space<hbm>> -> memref<1x32x1024xf32, #tpu.memory_space<hbm>>
    %dma_wait3A_136 = tpu.memref_squeeze %dma_wait3A_135 : memref<1x32x1024xf32, #tpu.memory_space<hbm>> -> memref<32x1024xf32, #tpu.memory_space<hbm>>
    %dma_wait3A_137 = arith.constant 0 : i32
    %dma_wait3A_138 = arith.constant 0 : i32
    %dma_wait3A_139 = tpu.memref_slice %arg6[%dma_wait3A_126, %dma_wait3A_137, %dma_wait3A_138] : memref<3x32x1024xf32, #tpu.memory_space<vmem>> -> memref<1x32x1024xf32, #tpu.memory_space<vmem>>
    %dma_wait3A_140 = tpu.memref_squeeze %dma_wait3A_139 : memref<1x32x1024xf32, #tpu.memory_space<vmem>> -> memref<32x1024xf32, #tpu.memory_space<vmem>>
    tpu.wait_dma2 semaphore(%arg10 : memref<!tpu.dma_semaphore, #tpu.memory_space<semaphore_mem>>) src(%dma_wait3A_140 : memref<32x1024xf32, #tpu.memory_space<vmem>>) dst(%dma_wait3A_136 : memref<32x1024xf32, #tpu.memory_space<hbm>>)
    %dma_wait3A_141 = arith.constant 1 : i32
    %dma_wait3A_142 = arith.constant 0 : i32
    %dma_wait3A_143 = arith.constant 0 : i32
    %dma_wait3A_144 = tpu.memref_slice %arg6[%dma_wait3A_141, %dma_wait3A_142, %dma_wait3A_143] : memref<3x32x1024xf32, #tpu.memory_space<vmem>> -> memref<1x32x1024xf32, #tpu.memory_space<vmem>>
    %dma_wait3A_145 = tpu.memref_squeeze %dma_wait3A_144 : memref<1x32x1024xf32, #tpu.memory_space<vmem>> -> memref<32x1024xf32, #tpu.memory_space<vmem>>
    %dma_wait3A_146 = arith.constant 0 : i32
    %dma_wait3A_147 = tpu.memref_slice %arg4[%select_n3A, %mul3A_32, %dma_wait3A_146] : memref<4x8192x1024xf32, #tpu.memory_space<hbm>> -> memref<1x32x1024xf32, #tpu.memory_space<hbm>>
    %dma_wait3A_148 = tpu.memref_squeeze %dma_wait3A_147 : memref<1x32x1024xf32, #tpu.memory_space<hbm>> -> memref<32x1024xf32, #tpu.memory_space<hbm>>
    %dma_wait3A_149 = arith.constant 0 : i32
    %dma_wait3A_150 = tpu.memref_slice %arg4[%select_n3A, %mul3A_32, %dma_wait3A_149] : memref<4x8192x1024xf32, #tpu.memory_space<hbm>> -> memref<1x32x1024xf32, #tpu.memory_space<hbm>>
    %dma_wait3A_151 = tpu.memref_squeeze %dma_wait3A_150 : memref<1x32x1024xf32, #tpu.memory_space<hbm>> -> memref<32x1024xf32, #tpu.memory_space<hbm>>
    %dma_wait3A_152 = arith.constant 0 : i32
    %dma_wait3A_153 = arith.constant 0 : i32
    %dma_wait3A_154 = tpu.memref_slice %arg6[%dma_wait3A_141, %dma_wait3A_152, %dma_wait3A_153] : memref<3x32x1024xf32, #tpu.memory_space<vmem>> -> memref<1x32x1024xf32, #tpu.memory_space<vmem>>
    %dma_wait3A_155 = tpu.memref_squeeze %dma_wait3A_154 : memref<1x32x1024xf32, #tpu.memory_space<vmem>> -> memref<32x1024xf32, #tpu.memory_space<vmem>>
    tpu.wait_dma2 semaphore(%arg11 : memref<!tpu.dma_semaphore, #tpu.memory_space<semaphore_mem>>) src(%dma_wait3A_155 : memref<32x1024xf32, #tpu.memory_space<vmem>>) dst(%dma_wait3A_151 : memref<32x1024xf32, #tpu.memory_space<hbm>>)
    %dma_wait3A_156 = arith.constant 2 : i32
    %dma_wait3A_157 = arith.constant 0 : i32
    %dma_wait3A_158 = arith.constant 0 : i32
    %dma_wait3A_159 = tpu.memref_slice %arg6[%dma_wait3A_156, %dma_wait3A_157, %dma_wait3A_158] : memref<3x32x1024xf32, #tpu.memory_space<vmem>> -> memref<1x32x1024xf32, #tpu.memory_space<vmem>>
    %dma_wait3A_160 = tpu.memref_squeeze %dma_wait3A_159 : memref<1x32x1024xf32, #tpu.memory_space<vmem>> -> memref<32x1024xf32, #tpu.memory_space<vmem>>
    %dma_wait3A_161 = arith.constant 0 : i32
    %dma_wait3A_162 = tpu.memref_slice %arg4[%select_n3A, %mul3A_32, %dma_wait3A_161] : memref<4x8192x1024xf32, #tpu.memory_space<hbm>> -> memref<1x32x1024xf32, #tpu.memory_space<hbm>>
    %dma_wait3A_163 = tpu.memref_squeeze %dma_wait3A_162 : memref<1x32x1024xf32, #tpu.memory_space<hbm>> -> memref<32x1024xf32, #tpu.memory_space<hbm>>
    %dma_wait3A_164 = arith.constant 0 : i32
    %dma_wait3A_165 = tpu.memref_slice %arg4[%select_n3A, %mul3A_32, %dma_wait3A_164] : memref<4x8192x1024xf32, #tpu.memory_space<hbm>> -> memref<1x32x1024xf32, #tpu.memory_space<hbm>>
    %dma_wait3A_166 = tpu.memref_squeeze %dma_wait3A_165 : memref<1x32x1024xf32, #tpu.memory_space<hbm>> -> memref<32x1024xf32, #tpu.memory_space<hbm>>
    %dma_wait3A_167 = arith.constant 0 : i32
    %dma_wait3A_168 = arith.constant 0 : i32
    %dma_wait3A_169 = tpu.memref_slice %arg6[%dma_wait3A_156, %dma_wait3A_167, %dma_wait3A_168] : memref<3x32x1024xf32, #tpu.memory_space<vmem>> -> memref<1x32x1024xf32, #tpu.memory_space<vmem>>
    %dma_wait3A_170 = tpu.memref_squeeze %dma_wait3A_169 : memref<1x32x1024xf32, #tpu.memory_space<vmem>> -> memref<32x1024xf32, #tpu.memory_space<vmem>>
    tpu.wait_dma2 semaphore(%arg12 : memref<!tpu.dma_semaphore, #tpu.memory_space<semaphore_mem>>) src(%dma_wait3A_170 : memref<32x1024xf32, #tpu.memory_space<vmem>>) dst(%dma_wait3A_166 : memref<32x1024xf32, #tpu.memory_space<hbm>>)
    return
  }
}

</mosaic_0001>

<sc_bundles>
// kernel: kernel.3.cloned.1.call-start
scs
__scs_entry_jumppad:
0x0: {  	(pc) =	sbr.rel $0x88, $3  }
0x1: {  	(tag) =	ssettag $0x0;
	lr =	simm.s32 $0x1  }
0x2: {  	[smem:$0x3F9F] =	sst lr;
	_ =	strace $0xD0000000  }
0x3: {  	_ = 	snop  }
0x4: {  	_ = 	snop  }
0x5: {  	_ = 	snop  }
0x6: {  	_ = 	snop  }
0x7: {  	_ = 	snop  }
__scs_overlays_trampoline_lowered:
0x8: {  	[smem:$0x3FAE] =	sst s0  }
0x9: {  	[smem:$0x3FAF] =	sst s1  }
0xa: {  	[smem:$0x3FB0] =	sst s2  }
0xb: {  	[smem:$0x3FB1] =	sst s3  }
0xc: {  	[smem:$0x3FB2] =	sst s4  }
0xd: {  	[smem:$0x3FB3] =	sst s5  }
0xe: {  	[smem:$0x3FB4] =	sst s6  }
0xf: {  	[smem:$0x3FB5] =	sst s7  }
0x10: {  	[smem:$0x3FB6] =	sst s8  }
0x11: {  	[smem:$0x3FB7] =	sst s9;
	s0 =	simm.s32 @!p0 $0x0  }
0x12: {  	s1 =	sld [smem:$0x3F9D];
	s0 =	simm.s32 @p0 $0x1  }
0x13: {  	[smem:$0x3FB8] =	sst s0;
	s0 =	simm.s32 @!p1 $0x0  }
0x14: {  	s2 =	sld [smem:$0x3F9C];
	s0 =	simm.s32 @p1 $0x1  }
0x15: {  	[smem:$0x3FB9] =	sst s0;
	s0 =	simm.s32 @!p2 $0x0  }
0x16: {  	s3 =	sld [smem:$0x3FDB];
	s0 =	simm.s32 @p2 $0x1  }
0x17: {  	s4 =	simm.s32 $0x1BF5;
	[smem:$0x3FBB] =	sst s0  }
0x18: {  	s0 =	sld [smem:$0x3F9E];
	_ =	swait.ge [sflag:s4], $0x0  }
0x19: {  	s7 =	sld [smem:$0x3F9F]  }
0x1a: {  	s8 =	sadd.s32 $0xFFFFE003, lr  }
0x1b: {  	s9 =	sadd.s32 $0xFFFFFEF7, lr;
	s5 =	simm.s32 $0xFFFFFFFF;
	p2 =	slt.u32 s8, $0xFFFFF086  }
0x1c: {  	p1 =	slt.u32 s9, $0xF7A;
	s5 =	simm.s32 @!p2 $0x0  }
0x1d: {  	s5 =	simm.s32 @p1 $0x1;
	p0 =	seq.s32 s7, s2  }
0x1e: {  	s7 =	smul.u32 @!p0 $0xF7A, s2;
	p2 =	seq.s32 @!p0 s5, $0x0  }
0x1f: {  	s9 =	smul.u32 $0xF7A, s1;
	s8 =	simm.s32 @!p0 $0x1BF5;
	p2 =	por !p2, p0  }
0x20: {  	[sflag:s8] =	ssyncset.s32 @!p0 $0xFFFFF086;
	s6 =	sadd.s32 @!p0 s3, s7;
	s7 =	simm.s32 @!p0 $0x108  }
0x21: {  	s3 =	sadd.s32 s3, s9;
	s6 =	sadd.s32 @!p0 $0x88, s6;
	s7 =	simm.s32 @p2 $0x1082  }
0x22: {  	[simem:s7], [sflag:s8] =	dma.local @!p0 [hbm:s6], $0xF7A  }
0x23: {  	s9 =	sor.u32 $0xD0000000, s2;
	s6 =	simm.s32 $0x108;
	_ =	swait.ge @!p0 [sflag:s8], $0x0  }
0x24: {  	s3 =	sadd.s32 $0x88, s3;
	s6 =	simm.s32 @!p1 $0x1082;
	[sflag:s4] =	ssyncset.s32 $0xFFFFF086  }
0x25: {  	[simem:s6], [sflag:s4] =	dma.local [hbm:s3], $0xF7A  }
0x26: {  	[smem:$0x3F9F] =	sst s1;
	(tag) =	ssettag s2;
	_ =	strace s9  }
0x27: {  	s1 =	sld [smem:$0x3FAF]  }
0x28: {  	s2 =	sld [smem:$0x3FB0]  }
0x29: {  	s4 =	sld [smem:$0x3FB2]  }
0x2a: {  	p0 =	seq.s32 s5, $0x0;
	s5 =	sld [smem:$0x3FB3]  }
0x2b: {  	s6 =	sld [smem:$0x3FB4]  }
0x2c: {  	s7 =	sld [smem:$0x3FB5]  }
0x2d: {  	s3 =	simm.s32 $0x108;
	s8 =	sld [smem:$0x3FB6]  }
0x2e: {  	s3 =	simm.s32 @!p0 $0x1082;
	s9 =	sld [smem:$0x3FB7]  }
0x2f: {  	lr =	sadd.s32 s0, s3;
	s0 =	sld [smem:$0x3FAE]  }
0x30: {  	s3 =	sld [smem:$0x3FB1]  }
0x31: {  	[smem:$0x3FBA] =	sst s10  }
0x32: {  	s10 =	sld [smem:$0x3FB8];
	_ =	sdelay $0x3  }
0x33: {  	p0 =	seq.s32 s10, $0x1;
	s10 =	sld [smem:$0x3FBA];
	_ =	sdelay $0x3  }
0x34: {  	[smem:$0x3FBA] =	sst s10  }
0x35: {  	s10 =	sld [smem:$0x3FB9];
	_ =	sdelay $0x3  }
0x36: {  	p1 =	seq.s32 s10, $0x1;
	s10 =	sld [smem:$0x3FBA];
	_ =	sdelay $0x3  }
0x37: {  	[smem:$0x3FBA] =	sst s10  }
0x38: {  	s10 =	sld [smem:$0x3FBB]  }
0x39: {  	_ = 	snop;
	(pc) =	sbr.ind lr, $3  }
0x3a: {  	_ = 	snop  }
0x3b: {  	_ = 	snop  }
0x3c: {  	p2 =	seq.s32 s10, $0x1;
	s10 =	sld [smem:$0x3FBA]  }
0x3d: {  	_ =	shalt  }
0x3e: {  	_ =	shalt  }
0x3f: {  	_ =	shalt  }
0x40: {  	_ =	shalt  }
0x41: {  	_ =	shalt  }
0x42: {  	_ =	shalt  }
0x43: {  	_ =	shalt  }
0x44: {  	_ =	shalt  }
0x45: {  	_ =	shalt  }
0x46: {  	_ =	shalt  }
0x47: {  	_ =	shalt  }
0x48: {  	_ =	shalt  }
0x49: {  	_ =	shalt  }
0x4a: {  	_ =	shalt  }
0x4b: {  	_ =	shalt  }
0x4c: {  	_ =	shalt  }
0x4d: {  	_ =	shalt  }
0x4e: {  	_ =	shalt  }
0x4f: {  	_ =	shalt  }
0x50: {  	_ =	shalt  }
0x51: {  	_ =	shalt  }
0x52: {  	_ =	shalt  }
0x53: {  	_ =	shalt  }
0x54: {  	_ =	shalt  }
0x55: {  	_ =	shalt  }
0x56: {  	_ =	shalt  }
0x57: {  	_ =	shalt  }
0x58: {  	_ =	shalt  }
0x59: {  	_ =	shalt  }
0x5a: {  	_ =	shalt  }
0x5b: {  	_ =	shalt  }
0x5c: {  	_ =	shalt  }
0x5d: {  	_ =	shalt  }
0x5e: {  	_ =	shalt  }
0x5f: {  	_ =	shalt  }
0x60: {  	_ =	shalt  }
0x61: {  	_ =	shalt  }
0x62: {  	_ =	shalt  }
0x63: {  	_ =	shalt  }
0x64: {  	_ =	shalt  }
0x65: {  	_ =	shalt  }
0x66: {  	_ =	shalt  }
0x67: {  	_ =	shalt  }
0x68: {  	_ =	shalt  }
0x69: {  	_ =	shalt  }
0x6a: {  	_ =	shalt  }
0x6b: {  	_ =	shalt  }
0x6c: {  	_ =	shalt  }
0x6d: {  	_ =	shalt  }
0x6e: {  	_ =	shalt  }
0x6f: {  	_ =	shalt  }
0x70: {  	_ =	shalt  }
0x71: {  	_ =	shalt  }
0x72: {  	_ =	shalt  }
0x73: {  	_ =	shalt  }
0x74: {  	_ =	shalt  }
0x75: {  	_ =	shalt  }
0x76: {  	_ =	shalt  }
0x77: {  	_ =	shalt  }
0x78: {  	_ =	shalt  }
0x79: {  	_ =	shalt  }
0x7a: {  	_ =	shalt  }
0x7b: {  	_ =	shalt  }
0x7c: {  	_ =	shalt  }
0x7d: {  	_ =	shalt  }
0x7e: {  	_ =	shalt  }
0x7f: {  	_ =	shalt  }
0x80: {  	_ =	shalt  }
0x81: {  	_ =	shalt  }
0x82: {  	_ =	shalt  }
0x83: {  	_ =	shalt  }
0x84: {  	_ =	shalt  }
0x85: {  	_ =	shalt  }
0x86: {  	_ =	shalt  }
0x87: {  	_ =	shalt  }
.Lfunc_end0:
.L_simem_size_0:
called_computation_lowered:
.L_overlay_start_0:
0x88: {  	s2 =	sld [smem:$0x3FD9]  }
0x89: {  	s3 =	sld [smem:$0x3FFE];
	_ =	sdelay $0x1  }
0x8a: {  	s1 =	srdreg.scid  }
0x8b: {  	s0 =	sand.u32 $0x1, s1  }
0x8c: {  	s18 =	sshll.u32 s0, $0xA;
	s2 =	sadd.s32 s3, s2  }
0x8d: {  	s2 =	sadd.s32 s2, s18  }
0x8e: {  	[smem:$0x3FC6] =	sst s2  }
0x8f: {  	_ = 	snop  }
0x90: {  	s2 =	sld [smem:$0x3FC9]  }
0x91: {  	s19 =	sld [smem:$0x3FC8]  }
0x92: {  	s4 =	sld [smem:$0x3FD0];
	(tm) =	ssettm $0x1  }
0x93: {  	s5 =	sld [smem:$0x3FFB];
	_ =	sdelay $0x3  }
0x94: {  	_ =	strace s5  }
0x95: {  	s5 =	sld [smem:$0x3FFC];
	_ =	sdelay $0x3  }
0x96: {  	_ =	strace s5  }
0x97: {  	s5 =	sld [smem:$0x3FFD];
	_ =	sdelay $0x3  }
0x98: {  	_ =	strace s5  }
0x99: {  	_ =	strace $0x8FFFFFFF  }
0x9a: {  	s20 =	sld [smem:$0x3FDB];
	_ =	sdelay $0x1  }
0x9b: {  	s6 =	simm.s32 $_scs_section_size  }
0x9c: {  	s7 =	simm.s32 $_size__tile_overlayer_lowered;
	s8 =	simm.s32 $_tile_overlayer_lowered  }
0x9d: {  	s23 =	simm.s32 $0x1BFF;
	s22 =	sshll.u32 s8, $0x1;
	s5 =	sadd.s32 s6, s20  }
0x9e: {  	s9 =	simm.s32 $0x0;
	s21 =	sshll.u32 s7, $0x1;
	s7 =	sadd.s32 s22, s5  }
0x9f: {  	[timem:s9], [sflag:s23] =	dma.local [hbm:s7], s21  }
0xa0: {  	_ =	swait.ge [sflag:s23], s21  }
0xa1: {  	s6 =	ssub.s32 $0x0, s21;
	[sflag:s23] =	ssyncset.done $0x0  }
0xa2: {  	[sflag:s23] =	ssyncadd.s32 s6;
	_ =	sdelay $0x1  }
0xa3: {  	s24 =	simm.s32 $0x1B8B  }
0xa4: {  	_ =	swait.ge [sflag:s24], $0x1  }
0xa5: {  	[sflag:s24] =	ssyncset.done $0x0  }
0xa6: {  	s25 =	simm.s32 $0x1B8E;
	[sflag:s24] =	ssyncadd.s32 $0xFFFFFFFF  }
0xa7: {  	s26 =	simm.s32 $execute0_lowered;
	[smem:$0x3FD2] =	sst s25  }
0xa8: {  	s6 =	sshll.u32 s26, $0x1;
	_ =	strace $0x80000046;
	[dreg:$0x1] =	wrdreg $0xFFFFFFFF  }
0xa9: {  	s28 =	simm.s32 $_size_execute0_lowered;
	s5 =	sadd.s32 s5, s6;
	[dreg:$0x0] =	wrdreg $0x0  }
0xaa: {  	s6 =	sshll.u32 s28, $0x1;
	[dreg:$0x2] =	wrdreg s5  }
0xab: {  	[dreg:$0x3] =	wrdreg s6  }
0xac: {  	[dreg:$0x4] =	wrdreg $0xC0  }
0xad: {  	_ =	task [dreg:s9], $0x5FFFF  }
0xae: {  	[dreg:$0x1] =	wrdreg $0xFFFFFFFF  }
0xaf: {  	[dreg:$0x0] =	wrdreg $0x60  }
0xb0: {  	[dreg:$0x2] =	wrdreg s2  }
0xb1: {  	[dreg:$0x3] =	wrdreg s19  }
0xb2: {  	[dreg:$0x4] =	wrdreg s4  }
0xb3: {  	[dreg:$0x5] =	wrdreg $0x9  }
0xb4: {  	_ =	task.clear_ibuf [dreg:s9], $0x6FFFF;
	_ =	strace $0x90000046  }
0xb5: {  	s29 =	simm.s32 $0x9;
	_ =	strace $0x80000048  }
0xb6: {  	_ =	swait.ge [sflag:s29], $0x1  }
0xb7: {  	[sflag:s29] =	ssyncadd.s32 $0xFFFFFFFF  }
0xb8: {  	_ =	strace $0x90000048  }
0xb9: {  	_ =	sfence  }
0xba: {  	s30 =	sld [smem:$0x0];
	_ =	sdelay $0x2  }
0xbb: {  	s31 =	sshll.u32 s1, $0xD;
	s1 =	sshrl.u32 s1, $0x2  }
0xbc: {  	s3 =	sand.u32 $0x4000, s31;
	s1 =	sadd.s32 s1, s30  }
0xbd: {  	s0 =	sor.u32 s3, s0;
	s1 =	sshll.u32 s1, $0x11  }
0xbe: {  	s0 =	sor.u32 s1, s0  }
0xbf: {  	s0 =	sadd.s32 $0x8F2B, s0  }
0xc0: {  	[sflag:s0] =	ssyncadd.remote.s32 $0x1  }
0xc1: {  	_ =	sfence.sel $0xFFFF  }
0xc2: {  	[dreg:$0x0] =	wrdreg $0xFFFFFFFF;
	(pc) =	sbr.abs _section_cstart, $3  }
0xc3: {  	[dreg:$0x1] =	wrdreg $0xFFFFFFFF  }
0xc4: {  	_ =	task.clear_ibuf [dreg:s9], $0x2FFFF;
	_ =	strace $0x9FFFFFFF  }
0xc5: {  	(tm) =	ssettm $0x7FFFFFFF  }
tec
execute0_lowered:
.L_overlay_start_1:
0x0: {  	(tag) =	ssettag $0x1  }
0x1: {  	s0 =	rddreg [dreg:$0x0]  }
0x2: {  	s1 =	rddreg [dreg:$0x1]  }
0x3: {  	s2 =	rddreg [dreg:$0x2];
	s3 =	simm.s32 $0x0  }
0x4: {  	s11 =	stileid.u32;
	s4 =	srdreg.scid;
	s14 =	simm.s32 $0x10C00  }
0x5: {  	s15 =	simm.s32 $0x11400;
	s16 =	simm.s32 $0x11C00;
	[smem:$0x7FF] =	sst s3  }
0x6: {  	s17 =	simm.s32 $0x12400;
	_ =	strace $0x80000047;
	[dreg:$0x7] =	wrdreg s14  }
0x7: {  	s18 =	simm.s32 $0x12C00;
	s30 =	simm.s32 $0xC00;
	[dreg:$0x8] =	wrdreg s15  }
0x8: {  	s19 =	simm.s32 $0x13400;
	s20 =	simm.s32 $0x13C00;
	[dreg:$0x9] =	wrdreg s16  }
0x9: {  	s21 =	simm.s32 $0x14400;
	s22 =	simm.s32 $0x14C00;
	[dreg:$0xa] =	wrdreg s17  }
0xa: {  	s31 =	simm.s32 $0x1;
	s5 =	sshll.u32 s11, $0x1;
	[dreg:$0xb] =	wrdreg s18  }
0xb: {  	s4 =	sand.u32 $0x1, s4;
	s6 =	sshrl.u32 s11, $0x2;
	[dreg:$0xc] =	wrdreg s19  }
0xc: {  	s24 =	sand.u32 $0x3, s11;
	s5 =	sand.u32 $0x6, s5;
	[dreg:$0xd] =	wrdreg s20  }
0xd: {  	s7 =	ssub.s32 $0x2, s4;
	s8 =	sshll.u32 s6, $0x4;
	[dreg:$0xe] =	wrdreg s21  }
0xe: {  	s6 =	sshll.u32 s6, $0x17;
	s14 =	simm.s32 $0x400;
	[dreg:$0xf] =	wrdreg s22  }
0xf: {  	s22 =	simm.s32 $0x2;
	s21 =	simm.s32 $0x8C00;
	s15 =	simm.s32 $0x5400  }
0x10: {  	s16 =	simm.s32 $0x5C00;
	s17 =	simm.s32 $0x6400;
	s18 =	simm.s32 $0x6C00  }
0x11: {  	s19 =	simm.s32 $0x7400;
	s20 =	simm.s32 $0x7C00;
	s5 =	sor.u32 s4, s5  }
0x12: {  	s9 =	sshrl.u32 s7, $0x1;
	s0 =	sadd.s32 s0, s8;
	s4 =	sshll.u32 s4, $0x14  }
0x13: {  	s8 =	simm.s32 $0x3400;
	s10 =	sshll.u32 s5, $0x9;
	s5 =	sshll.u32 s5, $0x14  }
0x14: {  	s23 =	ssub.s32 s7, s9;
	s0 =	sadd.s32 s10, s0;
	s25 =	sor.u32 s6, s5  }
0x15: {  	s5 =	sadd.s32 $0x100, s1;
	s13 =	smax.u32 s23, $0x1;
	[dreg:$0x16] =	wrdreg s0  }
0x16: {  	s23 =	simm.s32 $0x15400;
	s10 =	simm.s32 $0x4400;
	[dreg:$0x19] =	wrdreg s13  }
0x17: {  	s0 =	sshll.u32 s24, $0x15;
	s7 =	sshrl.u32 s25, $0x3;
	[dreg:$0x10] =	wrdreg s23  }
0x18: {  	s24 =	simm.s32 $0x15C00;
	s25 =	simm.s32 $0x16400;
	s23 =	simm.s32 $0x10400  }
0x19: {  	s13 =	simm.s32 $0x4C00;
	s0 =	sor.u32 s0, s6;
	s6 =	sadd.s32 $0x200, s1  }
0x1a: {  	s26 =	sadd.s32 s7, s2;
	s7 =	sadd.s32 $0x300, s1;
	[dreg:$0x11] =	wrdreg s24  }
0x1b: {  	[dreg:$0x12] =	wrdreg s25;
	s24 =	simm.s32 $0x3;
	s25 =	simm.s32 $0x4  }
0x1c: {  	s0 =	sor.u32 s4, s0;
	s29 =	sadd.s32 $0x1E000, s26;
	s4 =	sadd.s32 $0x1F000, s26  }
0x1d: {  	s26 =	simm.s32 $0x16C00;
	s28 =	sor.u32 $0x10000, s0;
	[dreg:$0x17] =	wrdreg s29  }
0x1e: {  	s11 =	sshrl.u32 s0, $0x3;
	s0 =	sor.u32 $0x8000, s0;
	[dreg:$0x18] =	wrdreg s4  }
0x1f: {  	[dreg:$0x13] =	wrdreg s26;
	s29 =	simm.s32 $0x17C00;
	s4 =	simm.s32 $0x0  }
0x20: {  	s9 =	sshrl.u32 s28, $0x3;
	s12 =	sadd.s32 s11, s2;
	[dreg:$0x15] =	wrdreg s29  }
0x21: {  	s0 =	sshrl.u32 s0, $0x3;
	s28 =	simm.s32 $0x17400;
	[dreg:$0x5] =	wrdreg s12  }
0x22: {  	v2 =	vlaneseq.u32;
	s11 =	simm.s32 $0x1C00;
	s9 =	sadd.s32 s9, s2;
	[dreg:$0x14] =	wrdreg s28  }
0x23: {  	vm0 =	vmmov $0xffff;
	v1 =	vshrl.u32 v2, $0x3;
	s0 =	sadd.s32 s0, s2;
	s12 =	simm.s32 $0x2400;
	[dreg:$0x4] =	wrdreg s9  }
0x24: {  	v0 =	vand.u32 $0x7, v2;
	v2 =	vor.u32 $0x8, v2;
	v1 =	vmul.u32 $0x8, v1;
	[dreg:$0x6] =	wrdreg s0;
	s0 =	simm.s32 $0x8400;
	s9 =	simm.s32 $0x3C00  }
.LBB2_1:
0x25: {  	s26 =	rddreg [dreg:$0x16];
	s28 =	simm.s32 $0x80;
	s29 =	simm.s32 $0x200  }
0x26: {  	[tilespmem:s3], [sflag:$0x7] =	stream.strided.gather [hbm4b:s26+s28], $0x400, s29, s28, $0x38;
	[tilespmem:$0x18400] =	vst v63  }
0x27: {  	[dreg:$0x1a] =	wrdreg s4;
	s29 =	simm.s32 $0x7  }
0x28: {  	_ =	swait.ge [sflag:s29], $0x400  }
0x29: {  	[sflag:s29] =	ssyncset.done $0x0  }
0x2a: {  	[sflag:s29] =	ssyncadd.s32 $0xFFFFFC00  }
0x2b: {  	v3 =	vld [tilespmem:$0x0];
	_ =	sdelay $0x4  }
0x2c: {  	v4 =	vshll.u32 v3, $0x3  }
0x2d: {  	v3 =	vand.u32 $0x7, v3;
	v4 =	vand.u32 $0xFFFFFFC0, v4  }
0x2e: {  	v3 =	vor.u32 v3, v4  }
0x2f: {  	v4 =	vperm.xlane v3, v0;
	_ =	sdelay $0x1  }
0x30: {  	v4 =	vadd.s32 v1, v4;
	_ =	sdelay $0x4  }
0x31: {  	[tilespmem:s14], [sflag:$0x1] =	stream.indirect_vreg.gather [hbm4b:s1+s3], $0x80, v4, vm0, $0xb8;
	[tilespmem:$0x18400] =	vst v63  }
0x32: {  	v3 =	vperm.xlane v3, v2  }
0x33: {  	[tilespmem:s30], [sflag:$0x1] =	stream.indirect_vreg.gather [hbm4b:s5+s3], $0x80, v4, vm0, $0xb8;
	[tilespmem:$0x18400] =	vst v63  }
0x34: {  	s2 =	simm.s32 $0x1400;
	v3 =	vadd.s32 v1, v3  }
0x35: {  	[tilespmem:s2], [sflag:$0x1] =	stream.indirect_vreg.gather [hbm4b:s6+s3], $0x80, v4, vm0, $0xb8;
	[tilespmem:$0x18400] =	vst v63  }
0x36: {  	_ = 	snop  }
0x37: {  	[tilespmem:s11], [sflag:$0x1] =	stream.indirect_vreg.gather [hbm4b:s7+s3], $0x80, v4, vm0, $0xb8;
	[tilespmem:$0x18400] =	vst v63  }
0x38: {  	_ = 	snop  }
0x39: {  	[tilespmem:s12], [sflag:$0x1] =	stream.indirect_vreg.gather [hbm4b:s1+s3], $0x80, v3, vm0, $0xb8;
	[tilespmem:$0x18400] =	vst v63  }
0x3a: {  	s4 =	simm.s32 $0x2C00  }
0x3b: {  	[tilespmem:s4], [sflag:$0x1] =	stream.indirect_vreg.gather [hbm4b:s5+s3], $0x80, v3, vm0, $0xb8;
	[tilespmem:$0x18400] =	vst v63  }
0x3c: {  	_ = 	snop  }
0x3d: {  	[tilespmem:s8], [sflag:$0x1] =	stream.indirect_vreg.gather [hbm4b:s6+s3], $0x80, v3, vm0, $0xb8;
	[tilespmem:$0x18400] =	vst v63  }
0x3e: {  	_ = 	snop  }
0x3f: {  	[tilespmem:s9], [sflag:$0x1] =	stream.indirect_vreg.gather [hbm4b:s7+s3], $0x80, v3, vm0, $0xb8;
	[tilespmem:$0x18400] =	vst v63  }
0x40: {  	v3 =	vld [tilespmem:$0x10];
	_ =	sdelay $0x4  }
0x41: {  	v63 =	vshll.u32 v3, $0x3  }
0x42: {  	v3 =	vand.u32 $0x7, v3;
	v4 =	vand.u32 $0xFFFFFFC0, v63  }
0x43: {  	v3 =	vor.u32 v3, v4  }
0x44: {  	v4 =	vperm.xlane v3, v0;
	_ =	sdelay $0x1  }
0x45: {  	v4 =	vadd.s32 v1, v4;
	_ =	sdelay $0x4  }
0x46: {  	[tilespmem:s10], [sflag:$0x1] =	stream.indirect_vreg.gather [hbm4b:s1+s3], $0x80, v4, vm0, $0xb8;
	[tilespmem:$0x18400] =	vst v63  }
0x47: {  	v3 =	vperm.xlane v3, v2  }
0x48: {  	[tilespmem:s13], [sflag:$0x1] =	stream.indirect_vreg.gather [hbm4b:s5+s3], $0x80, v4, vm0, $0xb8;
	[tilespmem:$0x18400] =	vst v63  }
0x49: {  	v3 =	vadd.s32 v1, v3  }
0x4a: {  	[tilespmem:s15], [sflag:$0x1] =	stream.indirect_vreg.gather [hbm4b:s6+s3], $0x80, v4, vm0, $0xb8;
	[tilespmem:$0x18400] =	vst v63  }
0x4b: {  	_ = 	snop  }
0x4c: {  	[tilespmem:s16], [sflag:$0x1] =	stream.indirect_vreg.gather [hbm4b:s7+s3], $0x80, v4, vm0, $0xb8;
	[tilespmem:$0x18400] =	vst v63  }
0x4d: {  	_ = 	snop  }
0x4e: {  	[tilespmem:s17], [sflag:$0x1] =	stream.indirect_vreg.gather [hbm4b:s1+s3], $0x80, v3, vm0, $0xb8;
	[tilespmem:$0x18400] =	vst v63  }
0x4f: {  	_ = 	snop  }
0x50: {  	[tilespmem:s18], [sflag:$0x1] =	stream.indirect_vreg.gather [hbm4b:s5+s3], $0x80, v3, vm0, $0xb8;
	[tilespmem:$0x18400] =	vst v63  }
0x51: {  	_ = 	snop  }
0x52: {  	[tilespmem:s19], [sflag:$0x1] =	stream.indirect_vreg.gather [hbm4b:s6+s3], $0x80, v3, vm0, $0xb8;
	[tilespmem:$0x18400] =	vst v63  }
0x53: {  	s26 =	simm.s32 $0x40;
	s28 =	simm.s32 $0x0  }
0x54: {  	[tilespmem:s20], [sflag:$0x1] =	stream.indirect_vreg.gather [hbm4b:s7+s3], $0x80, v3, vm0, $0xb8;
	[tilespmem:$0x18400] =	vst v63  }
.LBB2_2:
0x55: {  	_ =	swait.ge [sflag:s31], $0x8000  }
0x56: {  	s29 =	rddreg [dreg:$0x5];
	[sflag:s31] =	ssyncset.done $0x0  }
0x57: {  	p0 =	seq.s32 s28, $0x0;
	[sflag:s31] =	ssyncadd.s32 $0xFFFF8000;
	s29 =	sadd.s32 s28, s29  }
0x58: {  	[hbm4b:s29+s3] =	stream.linear.scatter [tilespmem:s14], [sflag:$0x4], $0x8000, $0x38;
	[tilespmem:$0x18400] =	vst v63  }
0x59: {  	s29 =	simm.s32 @!p0 $0x5  }
0x5a: {  	_ =	swait.ge @!p0 [sflag:s29], $0x8000  }
0x5b: {  	[sflag:s29] =	ssyncset.done @!p0 $0x0  }
0x5c: {  	[sflag:s29] =	ssyncadd.s32 @!p0 $0xFFFF8000  }
0x5d: {  	v3 =	vld [tilespmem:s26+$0xFFFFFFE0];
	_ =	sdelay $0x4  }
0x5e: {  	v4 =	vshll.u32 v3, $0x3  }
0x5f: {  	v3 =	vand.u32 $0x7, v3;
	v4 =	vand.u32 $0xFFFFFFC0, v4  }
0x60: {  	v3 =	vor.u32 v3, v4  }
0x61: {  	v4 =	vperm.xlane v3, v0;
	_ =	sdelay $0x1  }
0x62: {  	v4 =	vadd.s32 v1, v4;
	_ =	sdelay $0x4  }
0x63: {  	[tilespmem:s0], [sflag:$0x2] =	stream.indirect_vreg.gather [hbm4b:s1+s3], $0x80, v4, vm0, $0xb8;
	[tilespmem:$0x18400] =	vst v63  }
0x64: {  	v3 =	vperm.xlane v3, v2  }
0x65: {  	[tilespmem:s21], [sflag:$0x2] =	stream.indirect_vreg.gather [hbm4b:s5+s3], $0x80, v4, vm0, $0xb8;
	[tilespmem:$0x18400] =	vst v63  }
0x66: {  	s29 =	simm.s32 $0x9400;
	v3 =	vadd.s32 v1, v3  }
0x67: {  	[tilespmem:s29], [sflag:$0x2] =	stream.indirect_vreg.gather [hbm4b:s6+s3], $0x80, v4, vm0, $0xb8;
	[tilespmem:$0x18400] =	vst v63  }
0x68: {  	s29 =	simm.s32 $0x9C00  }
0x69: {  	[tilespmem:s29], [sflag:$0x2] =	stream.indirect_vreg.gather [hbm4b:s7+s3], $0x80, v4, vm0, $0xb8;
	[tilespmem:$0x18400] =	vst v63  }
0x6a: {  	s29 =	simm.s32 $0xA400  }
0x6b: {  	[tilespmem:s29], [sflag:$0x2] =	stream.indirect_vreg.gather [hbm4b:s1+s3], $0x80, v3, vm0, $0xb8;
	[tilespmem:$0x18400] =	vst v63  }
0x6c: {  	s29 =	simm.s32 $0xAC00  }
0x6d: {  	[tilespmem:s29], [sflag:$0x2] =	stream.indirect_vreg.gather [hbm4b:s5+s3], $0x80, v3, vm0, $0xb8;
	[tilespmem:$0x18400] =	vst v63  }
0x6e: {  	s29 =	simm.s32 $0xB400  }
0x6f: {  	[tilespmem:s29], [sflag:$0x2] =	stream.indirect_vreg.gather [hbm4b:s6+s3], $0x80, v3, vm0, $0xb8;
	[tilespmem:$0x18400] =	vst v63  }
0x70: {  	s29 =	simm.s32 $0xBC00  }
0x71: {  	[tilespmem:s29], [sflag:$0x2] =	stream.indirect_vreg.gather [hbm4b:s7+s3], $0x80, v3, vm0, $0xb8;
	[tilespmem:$0x18400] =	vst v63  }
0x72: {  	v3 =	vld [tilespmem:s26+$0xFFFFFFF0];
	_ =	sdelay $0x4  }
0x73: {  	v59 =	vshll.u32 v3, $0x3  }
0x74: {  	v3 =	vand.u32 $0x7, v3;
	v4 =	vand.u32 $0xFFFFFFC0, v59  }
0x75: {  	v3 =	vor.u32 v3, v4  }
0x76: {  	v4 =	vperm.xlane v3, v0;
	_ =	sdelay $0x1  }
0x77: {  	v4 =	vadd.s32 v1, v4;
	_ =	sdelay $0x3  }
0x78: {  	s29 =	simm.s32 $0xC400  }
0x79: {  	[tilespmem:s29], [sflag:$0x2] =	stream.indirect_vreg.gather [hbm4b:s1+s3], $0x80, v4, vm0, $0xb8;
	[tilespmem:$0x18400] =	vst v63  }
0x7a: {  	v3 =	vperm.xlane v3, v2;
	s29 =	simm.s32 $0xCC00  }
0x7b: {  	[tilespmem:s29], [sflag:$0x2] =	stream.indirect_vreg.gather [hbm4b:s5+s3], $0x80, v4, vm0, $0xb8;
	[tilespmem:$0x18400] =	vst v63  }
0x7c: {  	v3 =	vadd.s32 v1, v3;
	s29 =	simm.s32 $0xD400  }
0x7d: {  	[tilespmem:s29], [sflag:$0x2] =	stream.indirect_vreg.gather [hbm4b:s6+s3], $0x80, v4, vm0, $0xb8;
	[tilespmem:$0x18400] =	vst v63  }
0x7e: {  	s29 =	simm.s32 $0xDC00  }
0x7f: {  	[tilespmem:s29], [sflag:$0x2] =	stream.indirect_vreg.gather [hbm4b:s7+s3], $0x80, v4, vm0, $0xb8;
	[tilespmem:$0x18400] =	vst v63  }
0x80: {  	s29 =	simm.s32 $0xE400  }
0x81: {  	[tilespmem:s29], [sflag:$0x2] =	stream.indirect_vreg.gather [hbm4b:s1+s3], $0x80, v3, vm0, $0xb8;
	[tilespmem:$0x18400] =	vst v63  }
0x82: {  	s29 =	simm.s32 $0xEC00  }
0x83: {  	[tilespmem:s29], [sflag:$0x2] =	stream.indirect_vreg.gather [hbm4b:s5+s3], $0x80, v3, vm0, $0xb8;
	[tilespmem:$0x18400] =	vst v63  }
0x84: {  	s29 =	simm.s32 $0xF400  }
0x85: {  	[tilespmem:s29], [sflag:$0x2] =	stream.indirect_vreg.gather [hbm4b:s6+s3], $0x80, v3, vm0, $0xb8;
	[tilespmem:$0x18400] =	vst v63  }
0x86: {  	s29 =	simm.s32 $0xFC00  }
0x87: {  	[tilespmem:s29], [sflag:$0x2] =	stream.indirect_vreg.gather [hbm4b:s7+s3], $0x80, v3, vm0, $0xb8;
	[tilespmem:$0x18400] =	vst v63  }
0x88: {  	_ =	swait.ge [sflag:s22], $0x8000  }
0x89: {  	s29 =	rddreg [dreg:$0x6];
	[sflag:s22] =	ssyncset.done $0x0  }
0x8a: {  	[sflag:s22] =	ssyncadd.s32 $0xFFFF8000;
	s29 =	sadd.s32 s28, s29  }
0x8b: {  	[hbm4b:s29+s3] =	stream.linear.scatter [tilespmem:s0], [sflag:$0x5], $0x8000, $0x38;
	[tilespmem:$0x18400] =	vst v63  }
0x8c: {  	s29 =	simm.s32 @!p0 $0x6  }
0x8d: {  	_ =	swait.ge @!p0 [sflag:s29], $0x8000  }
0x8e: {  	[sflag:s29] =	ssyncset.done @!p0 $0x0  }
0x8f: {  	[sflag:s29] =	ssyncadd.s32 @!p0 $0xFFFF8000  }
0x90: {  	v3 =	vld [tilespmem:s26+$0x0];
	_ =	sdelay $0x4  }
0x91: {  	v60 =	vshll.u32 v3, $0x3  }
0x92: {  	v3 =	vand.u32 $0x7, v3;
	v4 =	vand.u32 $0xFFFFFFC0, v60  }
0x93: {  	v3 =	vor.u32 v3, v4  }
0x94: {  	v4 =	vperm.xlane v3, v0;
	_ =	sdelay $0x1  }
0x95: {  	v4 =	vadd.s32 v1, v4;
	_ =	sdelay $0x4  }
0x96: {  	[tilespmem:s23], [sflag:$0x3] =	stream.indirect_vreg.gather [hbm4b:s1+s3], $0x80, v4, vm0, $0xb8;
	[tilespmem:$0x18400] =	vst v63  }
0x97: {  	s29 =	rddreg [dreg:$0x7];
	v3 =	vperm.xlane v3, v2  }
0x98: {  	[tilespmem:s29], [sflag:$0x3] =	stream.indirect_vreg.gather [hbm4b:s5+s3], $0x80, v4, vm0, $0xb8;
	[tilespmem:$0x18400] =	vst v63  }
0x99: {  	s30 =	rddreg [dreg:$0x8];
	v3 =	vadd.s32 v1, v3  }
0x9a: {  	[tilespmem:s30], [sflag:$0x3] =	stream.indirect_vreg.gather [hbm4b:s6+s3], $0x80, v4, vm0, $0xb8;
	[tilespmem:$0x18400] =	vst v63  }
0x9b: {  	s29 =	rddreg [dreg:$0x9]  }
0x9c: {  	[tilespmem:s29], [sflag:$0x3] =	stream.indirect_vreg.gather [hbm4b:s7+s3], $0x80, v4, vm0, $0xb8;
	[tilespmem:$0x18400] =	vst v63  }
0x9d: {  	s30 =	rddreg [dreg:$0xa]  }
0x9e: {  	[tilespmem:s30], [sflag:$0x3] =	stream.indirect_vreg.gather [hbm4b:s1+s3], $0x80, v3, vm0, $0xb8;
	[tilespmem:$0x18400] =	vst v63  }
0x9f: {  	s29 =	rddreg [dreg:$0xb]  }
0xa0: {  	[tilespmem:s29], [sflag:$0x3] =	stream.indirect_vreg.gather [hbm4b:s5+s3], $0x80, v3, vm0, $0xb8;
	[tilespmem:$0x18400] =	vst v63  }
0xa1: {  	s30 =	rddreg [dreg:$0xc]  }
0xa2: {  	[tilespmem:s30], [sflag:$0x3] =	stream.indirect_vreg.gather [hbm4b:s6+s3], $0x80, v3, vm0, $0xb8;
	[tilespmem:$0x18400] =	vst v63  }
0xa3: {  	s29 =	rddreg [dreg:$0xd]  }
0xa4: {  	[tilespmem:s29], [sflag:$0x3] =	stream.indirect_vreg.gather [hbm4b:s7+s3], $0x80, v3, vm0, $0xb8;
	[tilespmem:$0x18400] =	vst v63  }
0xa5: {  	v3 =	vld [tilespmem:s26+$0x10];
	_ =	sdelay $0x4  }
0xa6: {  	v61 =	vshll.u32 v3, $0x3  }
0xa7: {  	v3 =	vand.u32 $0x7, v3;
	v4 =	vand.u32 $0xFFFFFFC0, v61  }
0xa8: {  	v3 =	vor.u32 v3, v4  }
0xa9: {  	v4 =	vperm.xlane v3, v0;
	_ =	sdelay $0x1  }
0xaa: {  	v4 =	vadd.s32 v1, v4;
	_ =	sdelay $0x3  }
0xab: {  	s29 =	rddreg [dreg:$0xe]  }
0xac: {  	[tilespmem:s29], [sflag:$0x3] =	stream.indirect_vreg.gather [hbm4b:s1+s3], $0x80, v4, vm0, $0xb8;
	[tilespmem:$0x18400] =	vst v63  }
0xad: {  	s30 =	rddreg [dreg:$0xf];
	v3 =	vperm.xlane v3, v2  }
0xae: {  	[tilespmem:s30], [sflag:$0x3] =	stream.indirect_vreg.gather [hbm4b:s5+s3], $0x80, v4, vm0, $0xb8;
	[tilespmem:$0x18400] =	vst v63  }
0xaf: {  	v3 =	vadd.s32 v1, v3;
	s29 =	rddreg [dreg:$0x10]  }
0xb0: {  	[tilespmem:s29], [sflag:$0x3] =	stream.indirect_vreg.gather [hbm4b:s6+s3], $0x80, v4, vm0, $0xb8;
	[tilespmem:$0x18400] =	vst v63  }
0xb1: {  	s30 =	rddreg [dreg:$0x11]  }
0xb2: {  	[tilespmem:s30], [sflag:$0x3] =	stream.indirect_vreg.gather [hbm4b:s7+s3], $0x80, v4, vm0, $0xb8;
	[tilespmem:$0x18400] =	vst v63  }
0xb3: {  	s29 =	rddreg [dreg:$0x12]  }
0xb4: {  	[tilespmem:s29], [sflag:$0x3] =	stream.indirect_vreg.gather [hbm4b:s1+s3], $0x80, v3, vm0, $0xb8;
	[tilespmem:$0x18400] =	vst v63  }
0xb5: {  	s30 =	rddreg [dreg:$0x13]  }
0xb6: {  	[tilespmem:s30], [sflag:$0x3] =	stream.indirect_vreg.gather [hbm4b:s5+s3], $0x80, v3, vm0, $0xb8;
	[tilespmem:$0x18400] =	vst v63  }
0xb7: {  	s29 =	rddreg [dreg:$0x14]  }
0xb8: {  	[tilespmem:s29], [sflag:$0x3] =	stream.indirect_vreg.gather [hbm4b:s6+s3], $0x80, v3, vm0, $0xb8;
	[tilespmem:$0x18400] =	vst v63  }
0xb9: {  	s30 =	rddreg [dreg:$0x15]  }
0xba: {  	[tilespmem:s30], [sflag:$0x3] =	stream.indirect_vreg.gather [hbm4b:s7+s3], $0x80, v3, vm0, $0xb8;
	[tilespmem:$0x18400] =	vst v63  }
0xbb: {  	_ =	swait.ge [sflag:s24], $0x8000  }
0xbc: {  	s29 =	rddreg [dreg:$0x4];
	[sflag:s24] =	ssyncset.done $0x0  }
0xbd: {  	[sflag:s24] =	ssyncadd.s32 $0xFFFF8000;
	s29 =	sadd.s32 s28, s29  }
0xbe: {  	[hbm4b:s29+s3] =	stream.linear.scatter [tilespmem:s23], [sflag:$0x6], $0x8000, $0x38;
	[tilespmem:$0x18400] =	vst v63  }
0xbf: {  	_ =	swait.ge [sflag:s25], $0x8000  }
0xc0: {  	[sflag:s25] =	ssyncset.done $0x0  }
0xc1: {  	[sflag:s25] =	ssyncadd.s32 $0xFFFF8000  }
0xc2: {  	v3 =	vld [tilespmem:s26+$0x20];
	_ =	sdelay $0x4  }
0xc3: {  	v62 =	vshll.u32 v3, $0x3  }
0xc4: {  	v3 =	vand.u32 $0x7, v3;
	v4 =	vand.u32 $0xFFFFFFC0, v62  }
0xc5: {  	v3 =	vor.u32 v3, v4  }
0xc6: {  	v4 =	vperm.xlane v3, v0;
	_ =	sdelay $0x1  }
0xc7: {  	v4 =	vadd.s32 v1, v4;
	_ =	sdelay $0x4  }
0xc8: {  	[tilespmem:s14], [sflag:$0x1] =	stream.indirect_vreg.gather [hbm4b:s1+s3], $0x80, v4, vm0, $0xb8;
	[tilespmem:$0x18400] =	vst v63  }
0xc9: {  	s30 =	simm.s32 $0xC00;
	v3 =	vperm.xlane v3, v2  }
0xca: {  	[tilespmem:s30], [sflag:$0x1] =	stream.indirect_vreg.gather [hbm4b:s5+s3], $0x80, v4, vm0, $0xb8;
	[tilespmem:$0x18400] =	vst v63  }
0xcb: {  	v3 =	vadd.s32 v1, v3  }
0xcc: {  	[tilespmem:s2], [sflag:$0x1] =	stream.indirect_vreg.gather [hbm4b:s6+s3], $0x80, v4, vm0, $0xb8;
	[tilespmem:$0x18400] =	vst v63  }
0xcd: {  	_ = 	snop  }
0xce: {  	[tilespmem:s11], [sflag:$0x1] =	stream.indirect_vreg.gather [hbm4b:s7+s3], $0x80, v4, vm0, $0xb8;
	[tilespmem:$0x18400] =	vst v63  }
0xcf: {  	_ = 	snop  }
0xd0: {  	[tilespmem:s12], [sflag:$0x1] =	stream.indirect_vreg.gather [hbm4b:s1+s3], $0x80, v3, vm0, $0xb8;
	[tilespmem:$0x18400] =	vst v63  }
0xd1: {  	_ = 	snop  }
0xd2: {  	[tilespmem:s4], [sflag:$0x1] =	stream.indirect_vreg.gather [hbm4b:s5+s3], $0x80, v3, vm0, $0xb8;
	[tilespmem:$0x18400] =	vst v63  }
0xd3: {  	_ = 	snop  }
0xd4: {  	[tilespmem:s8], [sflag:$0x1] =	stream.indirect_vreg.gather [hbm4b:s6+s3], $0x80, v3, vm0, $0xb8;
	[tilespmem:$0x18400] =	vst v63  }
0xd5: {  	_ = 	snop  }
0xd6: {  	[tilespmem:s9], [sflag:$0x1] =	stream.indirect_vreg.gather [hbm4b:s7+s3], $0x80, v3, vm0, $0xb8;
	[tilespmem:$0x18400] =	vst v63  }
0xd7: {  	v3 =	vld [tilespmem:s26+$0x30];
	_ =	sdelay $0x4  }
0xd8: {  	v63 =	vshll.u32 v3, $0x3  }
0xd9: {  	v3 =	vand.u32 $0x7, v3;
	v4 =	vand.u32 $0xFFFFFFC0, v63  }
0xda: {  	v3 =	vor.u32 v3, v4  }
0xdb: {  	v4 =	vperm.xlane v3, v0;
	_ =	sdelay $0x1  }
0xdc: {  	v4 =	vadd.s32 v1, v4;
	_ =	sdelay $0x4  }
0xdd: {  	[tilespmem:s10], [sflag:$0x1] =	stream.indirect_vreg.gather [hbm4b:s1+s3], $0x80, v4, vm0, $0xb8;
	[tilespmem:$0x18400] =	vst v63  }
0xde: {  	v3 =	vperm.xlane v3, v2  }
0xdf: {  	[tilespmem:s13], [sflag:$0x1] =	stream.indirect_vreg.gather [hbm4b:s5+s3], $0x80, v4, vm0, $0xb8;
	[tilespmem:$0x18400] =	vst v63  }
0xe0: {  	v3 =	vadd.s32 v1, v3  }
0xe1: {  	[tilespmem:s15], [sflag:$0x1] =	stream.indirect_vreg.gather [hbm4b:s6+s3], $0x80, v4, vm0, $0xb8;
	[tilespmem:$0x18400] =	vst v63  }
0xe2: {  	_ = 	snop  }
0xe3: {  	[tilespmem:s16], [sflag:$0x1] =	stream.indirect_vreg.gather [hbm4b:s7+s3], $0x80, v4, vm0, $0xb8;
	[tilespmem:$0x18400] =	vst v63  }
0xe4: {  	s28 =	sadd.s32 $0x3000, s28  }
0xe5: {  	[tilespmem:s17], [sflag:$0x1] =	stream.indirect_vreg.gather [hbm4b:s1+s3], $0x80, v3, vm0, $0xb8;
	[tilespmem:$0x18400] =	vst v63  }
0xe6: {  	p0 =	sne.s32 s28, $0x1E000  }
0xe7: {  	[tilespmem:s18], [sflag:$0x1] =	stream.indirect_vreg.gather [hbm4b:s5+s3], $0x80, v3, vm0, $0xb8;
	[tilespmem:$0x18400] =	vst v63  }
.Ltmp0:
0xe8: {  	_ = 	snop;
	(pc) =	sbr.rel @p0 .LBB2_2-.Ltmp0, $4  }
0xe9: {  	_ = 	snop  }
0xea: {  	[tilespmem:s19], [sflag:$0x1] =	stream.indirect_vreg.gather [hbm4b:s6+s3], $0x80, v3, vm0, $0xb8;
	[tilespmem:$0x18400] =	vst v63  }
0xeb: {  	s26 =	sadd.s32 $0x60, s26  }
0xec: {  	[tilespmem:s20], [sflag:$0x1] =	stream.indirect_vreg.gather [hbm4b:s7+s3], $0x80, v3, vm0, $0xb8;
	[tilespmem:$0x18400] =	vst v63  }
0xed: {  	_ =	swait.ge [sflag:s31], $0x8000  }
0xee: {  	[sflag:s31] =	ssyncset.done $0x0  }
0xef: {  	s2 =	simm.s32 $0x5;
	s26 =	rddreg [dreg:$0x17];
	[sflag:s31] =	ssyncadd.s32 $0xFFFF8000  }
0xf0: {  	[hbm4b:s26+s3] =	stream.linear.scatter [tilespmem:s14], [sflag:$0x4], $0x8000, $0x38;
	[tilespmem:$0x18400] =	vst v63  }
0xf1: {  	_ =	swait.ge [sflag:s2], $0x8000  }
0xf2: {  	[sflag:s2] =	ssyncset.done $0x0  }
0xf3: {  	[sflag:s2] =	ssyncadd.s32 $0xFFFF8000  }
0xf4: {  	v3 =	vld [tilespmem:$0x3E0];
	_ =	sdelay $0x4  }
0xf5: {  	v4 =	vshll.u32 v3, $0x3  }
0xf6: {  	v3 =	vand.u32 $0x7, v3;
	v4 =	vand.u32 $0xFFFFFFC0, v4  }
0xf7: {  	v3 =	vor.u32 v3, v4  }
0xf8: {  	v4 =	vperm.xlane v3, v0;
	_ =	sdelay $0x1  }
0xf9: {  	v4 =	vadd.s32 v1, v4;
	_ =	sdelay $0x4  }
0xfa: {  	[tilespmem:s0], [sflag:$0x2] =	stream.indirect_vreg.gather [hbm4b:s1+s3], $0x80, v4, vm0, $0xb8;
	[tilespmem:$0x18400] =	vst v63  }
0xfb: {  	v3 =	vperm.xlane v3, v2  }
0xfc: {  	[tilespmem:s21], [sflag:$0x2] =	stream.indirect_vreg.gather [hbm4b:s5+s3], $0x80, v4, vm0, $0xb8;
	[tilespmem:$0x18400] =	vst v63  }
0xfd: {  	s4 =	simm.s32 $0x9400;
	v3 =	vadd.s32 v1, v3  }
0xfe: {  	[tilespmem:s4], [sflag:$0x2] =	stream.indirect_vreg.gather [hbm4b:s6+s3], $0x80, v4, vm0, $0xb8;
	[tilespmem:$0x18400] =	vst v63  }
0xff: {  	s29 =	simm.s32 $0x9C00  }
0x100: {  	[tilespmem:s29], [sflag:$0x2] =	stream.indirect_vreg.gather [hbm4b:s7+s3], $0x80, v4, vm0, $0xb8;
	[tilespmem:$0x18400] =	vst v63  }
0x101: {  	s26 =	simm.s32 $0xA400  }
0x102: {  	[tilespmem:s26], [sflag:$0x2] =	stream.indirect_vreg.gather [hbm4b:s1+s3], $0x80, v3, vm0, $0xb8;
	[tilespmem:$0x18400] =	vst v63  }
0x103: {  	s28 =	simm.s32 $0xAC00  }
0x104: {  	[tilespmem:s28], [sflag:$0x2] =	stream.indirect_vreg.gather [hbm4b:s5+s3], $0x80, v3, vm0, $0xb8;
	[tilespmem:$0x18400] =	vst v63  }
0x105: {  	s29 =	simm.s32 $0xB400  }
0x106: {  	[tilespmem:s29], [sflag:$0x2] =	stream.indirect_vreg.gather [hbm4b:s6+s3], $0x80, v3, vm0, $0xb8;
	[tilespmem:$0x18400] =	vst v63  }
0x107: {  	s26 =	simm.s32 $0xBC00  }
0x108: {  	[tilespmem:s26], [sflag:$0x2] =	stream.indirect_vreg.gather [hbm4b:s7+s3], $0x80, v3, vm0, $0xb8;
	[tilespmem:$0x18400] =	vst v63  }
0x109: {  	v3 =	vld [tilespmem:$0x3F0];
	_ =	sdelay $0x4  }
0x10a: {  	v63 =	vshll.u32 v3, $0x3  }
0x10b: {  	v3 =	vand.u32 $0x7, v3;
	v4 =	vand.u32 $0xFFFFFFC0, v63  }
0x10c: {  	v3 =	vor.u32 v3, v4  }
0x10d: {  	v4 =	vperm.xlane v3, v0;
	_ =	sdelay $0x1  }
0x10e: {  	v4 =	vadd.s32 v1, v4;
	_ =	sdelay $0x3  }
0x10f: {  	s28 =	simm.s32 $0xC400  }
0x110: {  	[tilespmem:s28], [sflag:$0x2] =	stream.indirect_vreg.gather [hbm4b:s1+s3], $0x80, v4, vm0, $0xb8;
	[tilespmem:$0x18400] =	vst v63  }
0x111: {  	s29 =	simm.s32 $0xCC00;
	v3 =	vperm.xlane v3, v2  }
0x112: {  	[tilespmem:s29], [sflag:$0x2] =	stream.indirect_vreg.gather [hbm4b:s5+s3], $0x80, v4, vm0, $0xb8;
	[tilespmem:$0x18400] =	vst v63  }
0x113: {  	s26 =	simm.s32 $0xD400;
	v3 =	vadd.s32 v1, v3  }
0x114: {  	[tilespmem:s26], [sflag:$0x2] =	stream.indirect_vreg.gather [hbm4b:s6+s3], $0x80, v4, vm0, $0xb8;
	[tilespmem:$0x18400] =	vst v63  }
0x115: {  	s28 =	simm.s32 $0xDC00  }
0x116: {  	[tilespmem:s28], [sflag:$0x2] =	stream.indirect_vreg.gather [hbm4b:s7+s3], $0x80, v4, vm0, $0xb8;
	[tilespmem:$0x18400] =	vst v63  }
0x117: {  	s29 =	simm.s32 $0xE400  }
0x118: {  	[tilespmem:s29], [sflag:$0x2] =	stream.indirect_vreg.gather [hbm4b:s1+s3], $0x80, v3, vm0, $0xb8;
	[tilespmem:$0x18400] =	vst v63  }
0x119: {  	s26 =	simm.s32 $0xEC00  }
0x11a: {  	[tilespmem:s26], [sflag:$0x2] =	stream.indirect_vreg.gather [hbm4b:s5+s3], $0x80, v3, vm0, $0xb8;
	[tilespmem:$0x18400] =	vst v63  }
0x11b: {  	s28 =	simm.s32 $0xF400  }
0x11c: {  	[tilespmem:s28], [sflag:$0x2] =	stream.indirect_vreg.gather [hbm4b:s6+s3], $0x80, v3, vm0, $0xb8;
	[tilespmem:$0x18400] =	vst v63  }
0x11d: {  	s29 =	simm.s32 $0xFC00  }
0x11e: {  	[tilespmem:s29], [sflag:$0x2] =	stream.indirect_vreg.gather [hbm4b:s7+s3], $0x80, v3, vm0, $0xb8;
	[tilespmem:$0x18400] =	vst v63  }
0x11f: {  	_ =	swait.ge [sflag:s22], $0x8000  }
0x120: {  	[sflag:s22] =	ssyncset.done $0x0  }
0x121: {  	s4 =	rddreg [dreg:$0x18];
	[sflag:s22] =	ssyncadd.s32 $0xFFFF8000  }
0x122: {  	[hbm4b:s4+s3] =	stream.linear.scatter [tilespmem:s0], [sflag:$0x5], $0x8000, $0x38;
	[tilespmem:$0x18400] =	vst v63  }
0x123: {  	_ =	swait.ge [sflag:s25], $0x8000  }
0x124: {  	[sflag:s25] =	ssyncset.done $0x0  }
0x125: {  	[sflag:s25] =	ssyncadd.s32 $0xFFFF8000  }
0x126: {  	_ =	swait.ge [sflag:s2], $0x8000  }
0x127: {  	[sflag:s2] =	ssyncset.done $0x0  }
0x128: {  	[sflag:s2] =	ssyncadd.s32 $0xFFFF8000;
	s2 =	simm.s32 $0x6  }
0x129: {  	_ =	swait.ge [sflag:s2], $0x8000  }
0x12a: {  	s28 =	rddreg [dreg:$0x1a]  }
0x12b: {  	s29 =	rddreg [dreg:$0x19];
	s4 =	sadd.s32 $0x1, s28  }
0x12c: {  	p0 =	sne.s32 s4, s29  }
.Ltmp1:
0x12d: {  	_ = 	snop;
	(pc) =	sbr.rel @p0 .LBB2_1-.Ltmp1, $3  }
0x12e: {  	_ =	sdelay $0x1  }
0x12f: {  	[sflag:s2] =	ssyncset.done $0x0  }
0x130: {  	[sflag:s2] =	ssyncadd.s32 $0xFFFF8000  }
0x131: {  	_ =	sfence.sel $0x180000  }
0x132: {  	[bflag:$0x0] =	sbarrier.arrive $0xFFFF  }
0x133: {  	_ =	strace $0x90000047  }
0x134: {  	s0 =	stileid.u32;
	[bflag:$0x2] =	sbarrier.arrive $0xFFFF  }
0x135: {  	p0 =	sne.s32 s0, $0x0;
	s0 =	rddreg [dreg:$0x3]  }
0x136: {  	s0 =	sadd.s32 @!p0 $0x100000, s0  }
0x137: {  	[sflag:s0] =	ssyncadd.tile.s32 @!p0 $0x1;
	_ =	shalt  }
.Lfunc_end2:
_tile_overlayer_lowered:
.L_overlay_start_2:
0x138: {  	(tag) =	ssettag $0x2  }
0x139: {  	s0 =	rddreg [dreg:$0x0];
	s2 =	stileid.u32  }
0x13a: {  	s1 =	rddreg [dreg:$0x1];
	p0 =	sne.s32 s2, $0x0  }
0x13b: {  	s3 =	rddreg [dreg:$0x2];
	[bflag:$0x3] =	sbarrier.arrive $0xFFFF;
	s2 =	simm.s32 @!p0 $0x1C07  }
0x13c: {  	[timem:s3], [sflag:s2] =	dma.local @!p0 [hbm:s0], s1  }
0x13d: {  	s0 =	simm.s32 @!p0 $0x7  }
0x13e: {  	_ =	swait.ge @!p0 [sflag:s0], s1  }
0x13f: {  	s1 =	ssub.s32 @!p0 $0x0, s1;
	[sflag:s0] =	ssyncset.done @!p0 $0x0  }
0x140: {  	[sflag:s0] =	ssyncadd.s32 @!p0 s1  }
0x141: {  	[bflag:$0x3] =	sbarrier.arrive $0xFFFF  }
0x142: {  	_ =	shalt  }

</sc_bundles>
